<compile_context>
chip_gen: v7x
topology: tpu7x:2x2x1
jax: 0.10.2.dev20260603
libtpu: 0.0.44.dev20260713+nightly
codegen_flags: <defaults>
</compile_context>

<pallas_src>
import functools

import jax
import jax.numpy as jnp
from jax import lax
from jax.experimental import pallas as pl
from jax.experimental.pallas import tpu as pltpu
from jax.experimental.pallas import tpu_sc as plsc

NE = 8192
ED = 256
B = 16
T = 1024
NROW = B * T
BETA = 0.25
ALPHA = 1.0

ROW_TILE = 512
CB_CHUNK = 1024

NW = 32
BPW = NROW // NW
GCH = 128
NCH = BPW // GCH


NK = NE // CB_CHUNK


def _argmin_body(ze_ref, cb_ref, idx_ref, loss_ref, rmin_s, ridx_s,
                 dot_kwargs=None):
    i = pl.program_id(0)
    k = pl.program_id(1)
    zb = ze_ref[0]
    cb = cb_ref[...]
    c2 = jnp.sum(cb * cb, axis=1, keepdims=True)
    m = lax.dot_general(cb, zb, (((1,), (0,)), ((), ())),
                        preferred_element_type=jnp.float32,
                        **(dot_kwargs or {}))
    scores = c2 - 2.0 * m
    mn = jnp.min(scores, axis=0, keepdims=True)
    io = lax.broadcasted_iota(jnp.int32, scores.shape, 0) + k * CB_CHUNK
    am = jnp.min(jnp.where(scores == mn, io, jnp.int32(2**30)),
                 axis=0, keepdims=True)

    @pl.when(k == 0)
    def _():
        rmin_s[...] = mn
        ridx_s[...] = am

    @pl.when(k > 0)
    def _():
        better = mn < rmin_s[...]
        rmin_s[...] = jnp.where(better, mn, rmin_s[...])
        ridx_s[...] = jnp.where(better, am, ridx_s[...])

    @pl.when(k == NK - 1)
    def _():
        idx_ref[0, 0, :] = ridx_s[0, :]
        part = jnp.sum(rmin_s[...]) + jnp.sum(zb * zb)

        @pl.when(i == 0)
        def _():
            loss_ref[0, 0] = 0.0

        loss_ref[0, 0] += part


def _make_argmin_call(dot_kwargs=None):
    return pl.pallas_call(
        functools.partial(_argmin_body, dot_kwargs=dot_kwargs),
        grid=(NROW // ROW_TILE, NK),
        in_specs=[
            pl.BlockSpec((1, ED, ROW_TILE),
                         lambda i, k: (i // (T // ROW_TILE), 0,
                                       i % (T // ROW_TILE))),
            pl.BlockSpec((CB_CHUNK, ED), lambda i, k: (k, 0)),
        ],
        out_specs=[
            pl.BlockSpec((1, 1, ROW_TILE), lambda i, k: (i, 0, 0)),
            pl.BlockSpec((1, 1), lambda i, k: (0, 0), memory_space=pltpu.SMEM),
        ],
        out_shape=[
            jax.ShapeDtypeStruct((NROW // ROW_TILE, 1, ROW_TILE), jnp.int32),
            jax.ShapeDtypeStruct((1, 1), jnp.float32),
        ],
        scratch_shapes=[
            pltpu.VMEM((1, ROW_TILE), jnp.float32),
            pltpu.VMEM((1, ROW_TILE), jnp.int32),
        ],
    )


_argmin_call = _make_argmin_call(None)


def _sc_body(cb_hbm, idx_hbm, zq_hbm, counts_hbm,
             idx_v, rows_v, ones_v, slab_v, shared_counts, sem):
    cid = lax.axis_index("c")
    sid = lax.axis_index("s")
    wid = sid * 2 + cid
    pltpu.sync_copy(idx_hbm.at[pl.ds(wid * NCH, NCH)], idx_v)

    for j in range(BPW // 16):
        slab_v[pl.ds(j * 16, 16)] = jnp.zeros((16,), jnp.float32)
    pltpu.sync_copy(slab_v, shared_counts.at[pl.ds(sid * BPW, BPW)])
    for j in range(GCH // 16):
        ones_v[pl.ds(j * 16, 16)] = jnp.ones((16,), jnp.float32)
    plsc.subcore_barrier()

    for j in range(NCH):
        pltpu.sync_copy(ones_v, shared_counts.at[idx_v.at[j]], add=True)

    for j in range(NCH):
        pltpu.async_copy(cb_hbm.at[idx_v.at[j]], rows_v, sem).wait()
        pltpu.sync_copy(rows_v, zq_hbm.at[pl.ds(wid * BPW + j * GCH, GCH)])

    plsc.subcore_barrier()
    pltpu.sync_copy(shared_counts.at[pl.ds(sid * BPW, BPW)], slab_v)
    pltpu.sync_copy(slab_v, counts_hbm.at[cid, pl.ds(sid * BPW, BPW)])


@functools.lru_cache(maxsize=1)
def _get_sc_call():
    return pl.kernel(
        _sc_body,
        mesh=plsc.VectorSubcoreMesh(core_axis_name="c", subcore_axis_name="s"),
        out_type=[
            jax.ShapeDtypeStruct((NROW, ED), jnp.float32),
            jax.ShapeDtypeStruct((2, NE), jnp.float32),
        ],
        scratch_types=[
            pltpu.VMEM((NCH, GCH), jnp.int32),
            pltpu.VMEM((GCH, ED), jnp.float32),
            pltpu.VMEM((GCH,), jnp.float32),
            pltpu.VMEM((BPW,), jnp.float32),
            pltpu.VMEM_SHARED((NE,), jnp.float32),
            pltpu.SemaphoreType.DMA,
        ],
    )


def _finish_body(zq_ref, counts_ref, loss_ref, out_ref, vq_ref, perp_ref):
    i = pl.program_id(0)
    out_ref[0] = jnp.transpose(zq_ref[0], (1, 0))

    @pl.when(i == 0)
    def _():
        tot = counts_ref[0, :] + counts_ref[1, :]
        p = tot * (1.0 / NROW)
        ent = jnp.sum(p * jnp.log(p + 1e-10))
        perp_ref[0, 0] = jnp.exp(-ent)
        vq_ref[0, 0] = loss_ref[0, 0] * (ALPHA / (NROW * ED))


_finish_call = pl.pallas_call(
    _finish_body,
    grid=(B,),
    in_specs=[
        pl.BlockSpec((1, T, ED), lambda i: (i, 0, 0)),
        pl.BlockSpec((2, NE), lambda i: (0, 0)),
        pl.BlockSpec((1, 1), lambda i: (0, 0), memory_space=pltpu.SMEM),
    ],
    out_specs=[
        pl.BlockSpec((1, ED, T), lambda i: (i, 0, 0)),
        pl.BlockSpec((1, 1), lambda i: (0, 0), memory_space=pltpu.SMEM),
        pl.BlockSpec((1, 1), lambda i: (0, 0), memory_space=pltpu.SMEM),
    ],
    out_shape=[
        jax.ShapeDtypeStruct((B, ED, T), jnp.float32),
        jax.ShapeDtypeStruct((1, 1), jnp.float32),
        jax.ShapeDtypeStruct((1, 1), jnp.float32),
    ],
)


def kernel(z_e, codebook):
    idx3, loss = _argmin_call(z_e, codebook)
    idx2 = idx3.reshape(NROW // GCH, GCH)
    zq_flat, counts = _get_sc_call()(codebook, idx2)
    zq3 = zq_flat.reshape(B, T, ED)
    zq_out, vq, perp = _finish_call(zq3, counts, loss)
    return zq_out, vq.reshape(()), perp.reshape(())

# --- scband reference (transcript-rebuilt; emitter-appended) ---
"""Pipeline reference for scband-vector-quantizer-86431921864997 (READ-ONLY COPY).

The authoritative reference and input builder live on the scoring server;
editing this copy changes nothing except your own understanding.
"""

import jax, jax.numpy as jnp
import numpy as np

NUM_EMBEDS = 8192
EMBED_DIM = 256
BETA = 0.25
ALPHA = 1.0


def setup_inputs(seed: int = 0) -> dict:
    key = jax.random.key(seed)
    k1, k2 = jax.random.split(key)
    z_e = jax.random.normal(k1, (16, 256, 1024), dtype=jnp.float32)
    # embedding weight, emb_init='normal'
    codebook = jax.random.normal(k2, (NUM_EMBEDS, EMBED_DIM), dtype=jnp.float32)
    return {"z_e": z_e, "codebook": codebook}


def reference(z_e, codebook):
    # z_e: (b, embed_dim, t') -> (b, t', embed_dim)
    z = jnp.transpose(z_e, (0, 2, 1))
    z_shape = z.shape
    z_flat = z.reshape(-1, EMBED_DIM)
    # pairwise squared distances to codebook
    distances = (
        jnp.sum(z_flat ** 2, axis=1, keepdims=True)
        + jnp.sum(codebook ** 2, axis=1)
        - 2.0 * jnp.matmul(z_flat, codebook.T)
    )
    encoding_indices = jnp.argmin(distances, axis=1)
    encodings = jax.nn.one_hot(encoding_indices, NUM_EMBEDS, dtype=jnp.float32)
    z_q = jnp.matmul(encodings, codebook).reshape(z_shape)
    # use_ema=False, not training -> plain VQ losses
    e_latent_loss = jnp.mean((jax.lax.stop_gradient(z_q) - z) ** 2)
    q_latent_loss = jnp.mean((z_q - jax.lax.stop_gradient(z)) ** 2)
    vq_loss = (1.0 - BETA) * q_latent_loss + BETA * e_latent_loss
    # straight-through estimator
    z_q_st = z + jax.lax.stop_gradient(z_q - z)
    z_q_out = jnp.transpose(z_q_st, (0, 2, 1))
    avg_probs = jnp.mean(encodings, axis=0)
    perplexity = jnp.exp(-jnp.sum(avg_probs * jnp.log(avg_probs + 1e-10)))
    return (z_q_out, ALPHA * vq_loss, perplexity)

if __name__ == "__main__":
    import jax
    _d = setup_inputs()
    print(jax.jit(kernel)(*tuple(_d.values())))

</pallas_src>

<mosaic_0001>
#map = affine_map<(d0, d1) -> (0, 0)>
module attributes {stable_mosaic.version = 14 : i64} {
  func.func @_sc_body(%arg0: i32, %arg1: i32, %arg2: memref<8192x256xf32, #tpu.memory_space<hbm>>, %arg3: memref<128x128xi32, #tpu.memory_space<hbm>>, %arg4: memref<16384x256xf32, #tpu.memory_space<hbm>>, %arg5: memref<2x8192xf32, #tpu.memory_space<hbm>>, %arg6: memref<4x128xi32, #tpu.memory_space<vmem>>, %arg7: memref<128x256xf32, #tpu.memory_space<vmem>>, %arg8: memref<128xf32, #tpu.memory_space<vmem>>, %arg9: memref<512xf32, #tpu.memory_space<vmem>>, %arg10: memref<8192xf32, #tpu.memory_space<vmem_shared>>, %arg11: memref<!tpu.dma_semaphore, #tpu.memory_space<semaphore_mem>>) attributes {dimension_semantics = [#tpu.dimension_semantics<core_parallel>, #tpu.dimension_semantics<subcore_parallel>], iteration_bounds = array<i64: 2, 16>, scalar_prefetch = 0 : i64, scratch_operands = 6 : i64, tpu.core_type = #tpu.core_type<sc_vector_subcore>, window_params = [{transform_indices = #map}, {transform_indices = #map}, {transform_indices = #map}, {transform_indices = #map}]} {
    %mul3A = arith.constant 2 : i32
    %mul3A_0 = arith.muli %arg1, %mul3A : i32
    %add3A = arith.addi %mul3A_0, %arg0 : i32
    %mul3A_1 = arith.constant 4 : i32
    %mul3A_2 = arith.muli %add3A, %mul3A_1 : i32
    "tpu.region"() ({
      %run_scoped3A_321 = tpu.sem_alloc : memref<!tpu.dma_semaphore, #tpu.memory_space<semaphore_mem>>
      %dma_start3A_322 = arith.constant 0 : i32
      %dma_start3A_323 = tpu.memref_slice %arg3[%mul3A_2, %dma_start3A_322] : memref<128x128xi32, #tpu.memory_space<hbm>> -> memref<4x128xi32, #tpu.memory_space<hbm>>
      %dma_start3A_324 = arith.constant 0 : i32
      %dma_start3A_325 = tpu.memref_slice %arg3[%mul3A_2, %dma_start3A_324] : memref<128x128xi32, #tpu.memory_space<hbm>> -> memref<4x128xi32, #tpu.memory_space<hbm>>
      tpu.enqueue_dma source(%dma_start3A_325 : memref<4x128xi32, #tpu.memory_space<hbm>>) target(%arg6 : memref<4x128xi32, #tpu.memory_space<vmem>>) target_semaphore(%run_scoped3A_321 : memref<!tpu.dma_semaphore, #tpu.memory_space<semaphore_mem>>)
      %dma_wait3A_326 = arith.constant 0 : i32
      %dma_wait3A_327 = tpu.memref_slice %arg3[%mul3A_2, %dma_wait3A_326] : memref<128x128xi32, #tpu.memory_space<hbm>> -> memref<4x128xi32, #tpu.memory_space<hbm>>
      %dma_wait3A_328 = arith.constant 0 : i32
      %dma_wait3A_329 = tpu.memref_slice %arg3[%mul3A_2, %dma_wait3A_328] : memref<128x128xi32, #tpu.memory_space<hbm>> -> memref<4x128xi32, #tpu.memory_space<hbm>>
      tpu.wait_dma2 semaphore(%run_scoped3A_321 : memref<!tpu.dma_semaphore, #tpu.memory_space<semaphore_mem>>) src(%dma_wait3A_329 : memref<4x128xi32, #tpu.memory_space<hbm>>) dst(%arg6 : memref<4x128xi32, #tpu.memory_space<vmem>>)
      tpu.yield
    }) : () -> ()
    %broadcast_in_dim3A = arith.constant 0.000000e+00 : f32
    %broadcast_in_dim3A_3 = vector.broadcast %broadcast_in_dim3A : f32 to vector<16xf32>
    %swap3A = arith.constant 0 : index
    %swap3A_4 = tpu.vector_load %arg9[%swap3A] {strides = array<i32>} : memref<512xf32, #tpu.memory_space<vmem>>, vector<16xf32>,
    %swap3A_5 = vector.shape_cast %swap3A_4 : vector<16xf32> to vector<16xf32>
    %swap3A_6 = vector.shape_cast %broadcast_in_dim3A_3 : vector<16xf32> to vector<16xf32>
    tpu.vector_store %arg9[%swap3A], %swap3A_6 {strides = array<i32>} : memref<512xf32, #tpu.memory_space<vmem>>, vector<16xf32>,
    %broadcast_in_dim3A_7 = arith.constant 0.000000e+00 : f32
    %broadcast_in_dim3A_8 = vector.broadcast %broadcast_in_dim3A_7 : f32 to vector<16xf32>
    %swap3A_9 = arith.constant 16 : index
    %swap3A_10 = tpu.vector_load %arg9[%swap3A_9] {strides = array<i32>} : memref<512xf32, #tpu.memory_space<vmem>>, vector<16xf32>,
    %swap3A_11 = vector.shape_cast %swap3A_10 : vector<16xf32> to vector<16xf32>
    %swap3A_12 = vector.shape_cast %broadcast_in_dim3A_8 : vector<16xf32> to vector<16xf32>
    tpu.vector_store %arg9[%swap3A_9], %swap3A_12 {strides = array<i32>} : memref<512xf32, #tpu.memory_space<vmem>>, vector<16xf32>,
    %broadcast_in_dim3A_13 = arith.constant 0.000000e+00 : f32
    %broadcast_in_dim3A_14 = vector.broadcast %broadcast_in_dim3A_13 : f32 to vector<16xf32>
    %swap3A_15 = arith.constant 32 : index
    %swap3A_16 = tpu.vector_load %arg9[%swap3A_15] {strides = array<i32>} : memref<512xf32, #tpu.memory_space<vmem>>, vector<16xf32>,
    %swap3A_17 = vector.shape_cast %swap3A_16 : vector<16xf32> to vector<16xf32>
    %swap3A_18 = vector.shape_cast %broadcast_in_dim3A_14 : vector<16xf32> to vector<16xf32>
    tpu.vector_store %arg9[%swap3A_15], %swap3A_18 {strides = array<i32>} : memref<512xf32, #tpu.memory_space<vmem>>, vector<16xf32>,
    %broadcast_in_dim3A_19 = arith.constant 0.000000e+00 : f32
    %broadcast_in_dim3A_20 = vector.broadcast %broadcast_in_dim3A_19 : f32 to vector<16xf32>
    %swap3A_21 = arith.constant 48 : index
    %swap3A_22 = tpu.vector_load %arg9[%swap3A_21] {strides = array<i32>} : memref<512xf32, #tpu.memory_space<vmem>>, vector<16xf32>,
    %swap3A_23 = vector.shape_cast %swap3A_22 : vector<16xf32> to vector<16xf32>
    %swap3A_24 = vector.shape_cast %broadcast_in_dim3A_20 : vector<16xf32> to vector<16xf32>
    tpu.vector_store %arg9[%swap3A_21], %swap3A_24 {strides = array<i32>} : memref<512xf32, #tpu.memory_space<vmem>>, vector<16xf32>,
    %broadcast_in_dim3A_25 = arith.constant 0.000000e+00 : f32
    %broadcast_in_dim3A_26 = vector.broadcast %broadcast_in_dim3A_25 : f32 to vector<16xf32>
    %swap3A_27 = arith.constant 64 : index
    %swap3A_28 = tpu.vector_load %arg9[%swap3A_27] {strides = array<i32>} : memref<512xf32, #tpu.memory_space<vmem>>, vector<16xf32>,
    %swap3A_29 = vector.shape_cast %swap3A_28 : vector<16xf32> to vector<16xf32>
    %swap3A_30 = vector.shape_cast %broadcast_in_dim3A_26 : vector<16xf32> to vector<16xf32>
    tpu.vector_store %arg9[%swap3A_27], %swap3A_30 {strides = array<i32>} : memref<512xf32, #tpu.memory_space<vmem>>, vector<16xf32>,
    %broadcast_in_dim3A_31 = arith.constant 0.000000e+00 : f32
    %broadcast_in_dim3A_32 = vector.broadcast %broadcast_in_dim3A_31 : f32 to vector<16xf32>
    %swap3A_33 = arith.constant 80 : index
    %swap3A_34 = tpu.vector_load %arg9[%swap3A_33] {strides = array<i32>} : memref<512xf32, #tpu.memory_space<vmem>>, vector<16xf32>,
    %swap3A_35 = vector.shape_cast %swap3A_34 : vector<16xf32> to vector<16xf32>
    %swap3A_36 = vector.shape_cast %broadcast_in_dim3A_32 : vector<16xf32> to vector<16xf32>
    tpu.vector_store %arg9[%swap3A_33], %swap3A_36 {strides = array<i32>} : memref<512xf32, #tpu.memory_space<vmem>>, vector<16xf32>,
    %broadcast_in_dim3A_37 = arith.constant 0.000000e+00 : f32
    %broadcast_in_dim3A_38 = vector.broadcast %broadcast_in_dim3A_37 : f32 to vector<16xf32>
    %swap3A_39 = arith.constant 96 : index
    %swap3A_40 = tpu.vector_load %arg9[%swap3A_39] {strides = array<i32>} : memref<512xf32, #tpu.memory_space<vmem>>, vector<16xf32>,
    %swap3A_41 = vector.shape_cast %swap3A_40 : vector<16xf32> to vector<16xf32>
    %swap3A_42 = vector.shape_cast %broadcast_in_dim3A_38 : vector<16xf32> to vector<16xf32>
    tpu.vector_store %arg9[%swap3A_39], %swap3A_42 {strides = array<i32>} : memref<512xf32, #tpu.memory_space<vmem>>, vector<16xf32>,
    %broadcast_in_dim3A_43 = arith.constant 0.000000e+00 : f32
    %broadcast_in_dim3A_44 = vector.broadcast %broadcast_in_dim3A_43 : f32 to vector<16xf32>
    %swap3A_45 = arith.constant 112 : index
    %swap3A_46 = tpu.vector_load %arg9[%swap3A_45] {strides = array<i32>} : memref<512xf32, #tpu.memory_space<vmem>>, vector<16xf32>,
    %swap3A_47 = vector.shape_cast %swap3A_46 : vector<16xf32> to vector<16xf32>
    %swap3A_48 = vector.shape_cast %broadcast_in_dim3A_44 : vector<16xf32> to vector<16xf32>
    tpu.vector_store %arg9[%swap3A_45], %swap3A_48 {strides = array<i32>} : memref<512xf32, #tpu.memory_space<vmem>>, vector<16xf32>,
    %broadcast_in_dim3A_49 = arith.constant 0.000000e+00 : f32
    %broadcast_in_dim3A_50 = vector.broadcast %broadcast_in_dim3A_49 : f32 to vector<16xf32>
    %swap3A_51 = arith.constant 128 : index
    %swap3A_52 = tpu.vector_load %arg9[%swap3A_51] {strides = array<i32>} : memref<512xf32, #tpu.memory_space<vmem>>, vector<16xf32>,
    %swap3A_53 = vector.shape_cast %swap3A_52 : vector<16xf32> to vector<16xf32>
    %swap3A_54 = vector.shape_cast %broadcast_in_dim3A_50 : vector<16xf32> to vector<16xf32>
    tpu.vector_store %arg9[%swap3A_51], %swap3A_54 {strides = array<i32>} : memref<512xf32, #tpu.memory_space<vmem>>, vector<16xf32>,
    %broadcast_in_dim3A_55 = arith.constant 0.000000e+00 : f32
    %broadcast_in_dim3A_56 = vector.broadcast %broadcast_in_dim3A_55 : f32 to vector<16xf32>
    %swap3A_57 = arith.constant 144 : index
    %swap3A_58 = tpu.vector_load %arg9[%swap3A_57] {strides = array<i32>} : memref<512xf32, #tpu.memory_space<vmem>>, vector<16xf32>,
    %swap3A_59 = vector.shape_cast %swap3A_58 : vector<16xf32> to vector<16xf32>
    %swap3A_60 = vector.shape_cast %broadcast_in_dim3A_56 : vector<16xf32> to vector<16xf32>
    tpu.vector_store %arg9[%swap3A_57], %swap3A_60 {strides = array<i32>} : memref<512xf32, #tpu.memory_space<vmem>>, vector<16xf32>,
    %broadcast_in_dim3A_61 = arith.constant 0.000000e+00 : f32
    %broadcast_in_dim3A_62 = vector.broadcast %broadcast_in_dim3A_61 : f32 to vector<16xf32>
    %swap3A_63 = arith.constant 160 : index
    %swap3A_64 = tpu.vector_load %arg9[%swap3A_63] {strides = array<i32>} : memref<512xf32, #tpu.memory_space<vmem>>, vector<16xf32>,
    %swap3A_65 = vector.shape_cast %swap3A_64 : vector<16xf32> to vector<16xf32>
    %swap3A_66 = vector.shape_cast %broadcast_in_dim3A_62 : vector<16xf32> to vector<16xf32>
    tpu.vector_store %arg9[%swap3A_63], %swap3A_66 {strides = array<i32>} : memref<512xf32, #tpu.memory_space<vmem>>, vector<16xf32>,
    %broadcast_in_dim3A_67 = arith.constant 0.000000e+00 : f32
    %broadcast_in_dim3A_68 = vector.broadcast %broadcast_in_dim3A_67 : f32 to vector<16xf32>
    %swap3A_69 = arith.constant 176 : index
    %swap3A_70 = tpu.vector_load %arg9[%swap3A_69] {strides = array<i32>} : memref<512xf32, #tpu.memory_space<vmem>>, vector<16xf32>,
    %swap3A_71 = vector.shape_cast %swap3A_70 : vector<16xf32> to vector<16xf32>
    %swap3A_72 = vector.shape_cast %broadcast_in_dim3A_68 : vector<16xf32> to vector<16xf32>
    tpu.vector_store %arg9[%swap3A_69], %swap3A_72 {strides = array<i32>} : memref<512xf32, #tpu.memory_space<vmem>>, vector<16xf32>,
    %broadcast_in_dim3A_73 = arith.constant 0.000000e+00 : f32
    %broadcast_in_dim3A_74 = vector.broadcast %broadcast_in_dim3A_73 : f32 to vector<16xf32>
    %swap3A_75 = arith.constant 192 : index
    %swap3A_76 = tpu.vector_load %arg9[%swap3A_75] {strides = array<i32>} : memref<512xf32, #tpu.memory_space<vmem>>, vector<16xf32>,
    %swap3A_77 = vector.shape_cast %swap3A_76 : vector<16xf32> to vector<16xf32>
    %swap3A_78 = vector.shape_cast %broadcast_in_dim3A_74 : vector<16xf32> to vector<16xf32>
    tpu.vector_store %arg9[%swap3A_75], %swap3A_78 {strides = array<i32>} : memref<512xf32, #tpu.memory_space<vmem>>, vector<16xf32>,
    %broadcast_in_dim3A_79 = arith.constant 0.000000e+00 : f32
    %broadcast_in_dim3A_80 = vector.broadcast %broadcast_in_dim3A_79 : f32 to vector<16xf32>
    %swap3A_81 = arith.constant 208 : index
    %swap3A_82 = tpu.vector_load %arg9[%swap3A_81] {strides = array<i32>} : memref<512xf32, #tpu.memory_space<vmem>>, vector<16xf32>,
    %swap3A_83 = vector.shape_cast %swap3A_82 : vector<16xf32> to vector<16xf32>
    %swap3A_84 = vector.shape_cast %broadcast_in_dim3A_80 : vector<16xf32> to vector<16xf32>
    tpu.vector_store %arg9[%swap3A_81], %swap3A_84 {strides = array<i32>} : memref<512xf32, #tpu.memory_space<vmem>>, vector<16xf32>,
    %broadcast_in_dim3A_85 = arith.constant 0.000000e+00 : f32
    %broadcast_in_dim3A_86 = vector.broadcast %broadcast_in_dim3A_85 : f32 to vector<16xf32>
    %swap3A_87 = arith.constant 224 : index
    %swap3A_88 = tpu.vector_load %arg9[%swap3A_87] {strides = array<i32>} : memref<512xf32, #tpu.memory_space<vmem>>, vector<16xf32>,
    %swap3A_89 = vector.shape_cast %swap3A_88 : vector<16xf32> to vector<16xf32>
    %swap3A_90 = vector.shape_cast %broadcast_in_dim3A_86 : vector<16xf32> to vector<16xf32>
    tpu.vector_store %arg9[%swap3A_87], %swap3A_90 {strides = array<i32>} : memref<512xf32, #tpu.memory_space<vmem>>, vector<16xf32>,
    %broadcast_in_dim3A_91 = arith.constant 0.000000e+00 : f32
    %broadcast_in_dim3A_92 = vector.broadcast %broadcast_in_dim3A_91 : f32 to vector<16xf32>
    %swap3A_93 = arith.constant 240 : index
    %swap3A_94 = tpu.vector_load %arg9[%swap3A_93] {strides = array<i32>} : memref<512xf32, #tpu.memory_space<vmem>>, vector<16xf32>,
    %swap3A_95 = vector.shape_cast %swap3A_94 : vector<16xf32> to vector<16xf32>
    %swap3A_96 = vector.shape_cast %broadcast_in_dim3A_92 : vector<16xf32> to vector<16xf32>
    tpu.vector_store %arg9[%swap3A_93], %swap3A_96 {strides = array<i32>} : memref<512xf32, #tpu.memory_space<vmem>>, vector<16xf32>,
    %broadcast_in_dim3A_97 = arith.constant 0.000000e+00 : f32
    %broadcast_in_dim3A_98 = vector.broadcast %broadcast_in_dim3A_97 : f32 to vector<16xf32>
    %swap3A_99 = arith.constant 256 : index
    %swap3A_100 = tpu.vector_load %arg9[%swap3A_99] {strides = array<i32>} : memref<512xf32, #tpu.memory_space<vmem>>, vector<16xf32>,
    %swap3A_101 = vector.shape_cast %swap3A_100 : vector<16xf32> to vector<16xf32>
    %swap3A_102 = vector.shape_cast %broadcast_in_dim3A_98 : vector<16xf32> to vector<16xf32>
    tpu.vector_store %arg9[%swap3A_99], %swap3A_102 {strides = array<i32>} : memref<512xf32, #tpu.memory_space<vmem>>, vector<16xf32>,
    %broadcast_in_dim3A_103 = arith.constant 0.000000e+00 : f32
    %broadcast_in_dim3A_104 = vector.broadcast %broadcast_in_dim3A_103 : f32 to vector<16xf32>
    %swap3A_105 = arith.constant 272 : index
    %swap3A_106 = tpu.vector_load %arg9[%swap3A_105] {strides = array<i32>} : memref<512xf32, #tpu.memory_space<vmem>>, vector<16xf32>,
    %swap3A_107 = vector.shape_cast %swap3A_106 : vector<16xf32> to vector<16xf32>
    %swap3A_108 = vector.shape_cast %broadcast_in_dim3A_104 : vector<16xf32> to vector<16xf32>
    tpu.vector_store %arg9[%swap3A_105], %swap3A_108 {strides = array<i32>} : memref<512xf32, #tpu.memory_space<vmem>>, vector<16xf32>,
    %broadcast_in_dim3A_109 = arith.constant 0.000000e+00 : f32
    %broadcast_in_dim3A_110 = vector.broadcast %broadcast_in_dim3A_109 : f32 to vector<16xf32>
    %swap3A_111 = arith.constant 288 : index
    %swap3A_112 = tpu.vector_load %arg9[%swap3A_111] {strides = array<i32>} : memref<512xf32, #tpu.memory_space<vmem>>, vector<16xf32>,
    %swap3A_113 = vector.shape_cast %swap3A_112 : vector<16xf32> to vector<16xf32>
    %swap3A_114 = vector.shape_cast %broadcast_in_dim3A_110 : vector<16xf32> to vector<16xf32>
    tpu.vector_store %arg9[%swap3A_111], %swap3A_114 {strides = array<i32>} : memref<512xf32, #tpu.memory_space<vmem>>, vector<16xf32>,
    %broadcast_in_dim3A_115 = arith.constant 0.000000e+00 : f32
    %broadcast_in_dim3A_116 = vector.broadcast %broadcast_in_dim3A_115 : f32 to vector<16xf32>
    %swap3A_117 = arith.constant 304 : index
    %swap3A_118 = tpu.vector_load %arg9[%swap3A_117] {strides = array<i32>} : memref<512xf32, #tpu.memory_space<vmem>>, vector<16xf32>,
    %swap3A_119 = vector.shape_cast %swap3A_118 : vector<16xf32> to vector<16xf32>
    %swap3A_120 = vector.shape_cast %broadcast_in_dim3A_116 : vector<16xf32> to vector<16xf32>
    tpu.vector_store %arg9[%swap3A_117], %swap3A_120 {strides = array<i32>} : memref<512xf32, #tpu.memory_space<vmem>>, vector<16xf32>,
    %broadcast_in_dim3A_121 = arith.constant 0.000000e+00 : f32
    %broadcast_in_dim3A_122 = vector.broadcast %broadcast_in_dim3A_121 : f32 to vector<16xf32>
    %swap3A_123 = arith.constant 320 : index
    %swap3A_124 = tpu.vector_load %arg9[%swap3A_123] {strides = array<i32>} : memref<512xf32, #tpu.memory_space<vmem>>, vector<16xf32>,
    %swap3A_125 = vector.shape_cast %swap3A_124 : vector<16xf32> to vector<16xf32>
    %swap3A_126 = vector.shape_cast %broadcast_in_dim3A_122 : vector<16xf32> to vector<16xf32>
    tpu.vector_store %arg9[%swap3A_123], %swap3A_126 {strides = array<i32>} : memref<512xf32, #tpu.memory_space<vmem>>, vector<16xf32>,
    %broadcast_in_dim3A_127 = arith.constant 0.000000e+00 : f32
    %broadcast_in_dim3A_128 = vector.broadcast %broadcast_in_dim3A_127 : f32 to vector<16xf32>
    %swap3A_129 = arith.constant 336 : index
    %swap3A_130 = tpu.vector_load %arg9[%swap3A_129] {strides = array<i32>} : memref<512xf32, #tpu.memory_space<vmem>>, vector<16xf32>,
    %swap3A_131 = vector.shape_cast %swap3A_130 : vector<16xf32> to vector<16xf32>
    %swap3A_132 = vector.shape_cast %broadcast_in_dim3A_128 : vector<16xf32> to vector<16xf32>
    tpu.vector_store %arg9[%swap3A_129], %swap3A_132 {strides = array<i32>} : memref<512xf32, #tpu.memory_space<vmem>>, vector<16xf32>,
    %broadcast_in_dim3A_133 = arith.constant 0.000000e+00 : f32
    %broadcast_in_dim3A_134 = vector.broadcast %broadcast_in_dim3A_133 : f32 to vector<16xf32>
    %swap3A_135 = arith.constant 352 : index
    %swap3A_136 = tpu.vector_load %arg9[%swap3A_135] {strides = array<i32>} : memref<512xf32, #tpu.memory_space<vmem>>, vector<16xf32>,
    %swap3A_137 = vector.shape_cast %swap3A_136 : vector<16xf32> to vector<16xf32>
    %swap3A_138 = vector.shape_cast %broadcast_in_dim3A_134 : vector<16xf32> to vector<16xf32>
    tpu.vector_store %arg9[%swap3A_135], %swap3A_138 {strides = array<i32>} : memref<512xf32, #tpu.memory_space<vmem>>, vector<16xf32>,
    %broadcast_in_dim3A_139 = arith.constant 0.000000e+00 : f32
    %broadcast_in_dim3A_140 = vector.broadcast %broadcast_in_dim3A_139 : f32 to vector<16xf32>
    %swap3A_141 = arith.constant 368 : index
    %swap3A_142 = tpu.vector_load %arg9[%swap3A_141] {strides = array<i32>} : memref<512xf32, #tpu.memory_space<vmem>>, vector<16xf32>,
    %swap3A_143 = vector.shape_cast %swap3A_142 : vector<16xf32> to vector<16xf32>
    %swap3A_144 = vector.shape_cast %broadcast_in_dim3A_140 : vector<16xf32> to vector<16xf32>
    tpu.vector_store %arg9[%swap3A_141], %swap3A_144 {strides = array<i32>} : memref<512xf32, #tpu.memory_space<vmem>>, vector<16xf32>,
    %broadcast_in_dim3A_145 = arith.constant 0.000000e+00 : f32
    %broadcast_in_dim3A_146 = vector.broadcast %broadcast_in_dim3A_145 : f32 to vector<16xf32>
    %swap3A_147 = arith.constant 384 : index
    %swap3A_148 = tpu.vector_load %arg9[%swap3A_147] {strides = array<i32>} : memref<512xf32, #tpu.memory_space<vmem>>, vector<16xf32>,
    %swap3A_149 = vector.shape_cast %swap3A_148 : vector<16xf32> to vector<16xf32>
    %swap3A_150 = vector.shape_cast %broadcast_in_dim3A_146 : vector<16xf32> to vector<16xf32>
    tpu.vector_store %arg9[%swap3A_147], %swap3A_150 {strides = array<i32>} : memref<512xf32, #tpu.memory_space<vmem>>, vector<16xf32>,
    %broadcast_in_dim3A_151 = arith.constant 0.000000e+00 : f32
    %broadcast_in_dim3A_152 = vector.broadcast %broadcast_in_dim3A_151 : f32 to vector<16xf32>
    %swap3A_153 = arith.constant 400 : index
    %swap3A_154 = tpu.vector_load %arg9[%swap3A_153] {strides = array<i32>} : memref<512xf32, #tpu.memory_space<vmem>>, vector<16xf32>,
    %swap3A_155 = vector.shape_cast %swap3A_154 : vector<16xf32> to vector<16xf32>
    %swap3A_156 = vector.shape_cast %broadcast_in_dim3A_152 : vector<16xf32> to vector<16xf32>
    tpu.vector_store %arg9[%swap3A_153], %swap3A_156 {strides = array<i32>} : memref<512xf32, #tpu.memory_space<vmem>>, vector<16xf32>,
    %broadcast_in_dim3A_157 = arith.constant 0.000000e+00 : f32
    %broadcast_in_dim3A_158 = vector.broadcast %broadcast_in_dim3A_157 : f32 to vector<16xf32>
    %swap3A_159 = arith.constant 416 : index
    %swap3A_160 = tpu.vector_load %arg9[%swap3A_159] {strides = array<i32>} : memref<512xf32, #tpu.memory_space<vmem>>, vector<16xf32>,
    %swap3A_161 = vector.shape_cast %swap3A_160 : vector<16xf32> to vector<16xf32>
    %swap3A_162 = vector.shape_cast %broadcast_in_dim3A_158 : vector<16xf32> to vector<16xf32>
    tpu.vector_store %arg9[%swap3A_159], %swap3A_162 {strides = array<i32>} : memref<512xf32, #tpu.memory_space<vmem>>, vector<16xf32>,
    %broadcast_in_dim3A_163 = arith.constant 0.000000e+00 : f32
    %broadcast_in_dim3A_164 = vector.broadcast %broadcast_in_dim3A_163 : f32 to vector<16xf32>
    %swap3A_165 = arith.constant 432 : index
    %swap3A_166 = tpu.vector_load %arg9[%swap3A_165] {strides = array<i32>} : memref<512xf32, #tpu.memory_space<vmem>>, vector<16xf32>,
    %swap3A_167 = vector.shape_cast %swap3A_166 : vector<16xf32> to vector<16xf32>
    %swap3A_168 = vector.shape_cast %broadcast_in_dim3A_164 : vector<16xf32> to vector<16xf32>
    tpu.vector_store %arg9[%swap3A_165], %swap3A_168 {strides = array<i32>} : memref<512xf32, #tpu.memory_space<vmem>>, vector<16xf32>,
    %broadcast_in_dim3A_169 = arith.constant 0.000000e+00 : f32
    %broadcast_in_dim3A_170 = vector.broadcast %broadcast_in_dim3A_169 : f32 to vector<16xf32>
    %swap3A_171 = arith.constant 448 : index
    %swap3A_172 = tpu.vector_load %arg9[%swap3A_171] {strides = array<i32>} : memref<512xf32, #tpu.memory_space<vmem>>, vector<16xf32>,
    %swap3A_173 = vector.shape_cast %swap3A_172 : vector<16xf32> to vector<16xf32>
    %swap3A_174 = vector.shape_cast %broadcast_in_dim3A_170 : vector<16xf32> to vector<16xf32>
    tpu.vector_store %arg9[%swap3A_171], %swap3A_174 {strides = array<i32>} : memref<512xf32, #tpu.memory_space<vmem>>, vector<16xf32>,
    %broadcast_in_dim3A_175 = arith.constant 0.000000e+00 : f32
    %broadcast_in_dim3A_176 = vector.broadcast %broadcast_in_dim3A_175 : f32 to vector<16xf32>
    %swap3A_177 = arith.constant 464 : index
    %swap3A_178 = tpu.vector_load %arg9[%swap3A_177] {strides = array<i32>} : memref<512xf32, #tpu.memory_space<vmem>>, vector<16xf32>,
    %swap3A_179 = vector.shape_cast %swap3A_178 : vector<16xf32> to vector<16xf32>
    %swap3A_180 = vector.shape_cast %broadcast_in_dim3A_176 : vector<16xf32> to vector<16xf32>
    tpu.vector_store %arg9[%swap3A_177], %swap3A_180 {strides = array<i32>} : memref<512xf32, #tpu.memory_space<vmem>>, vector<16xf32>,
    %broadcast_in_dim3A_181 = arith.constant 0.000000e+00 : f32
    %broadcast_in_dim3A_182 = vector.broadcast %broadcast_in_dim3A_181 : f32 to vector<16xf32>
    %swap3A_183 = arith.constant 480 : index
    %swap3A_184 = tpu.vector_load %arg9[%swap3A_183] {strides = array<i32>} : memref<512xf32, #tpu.memory_space<vmem>>, vector<16xf32>,
    %swap3A_185 = vector.shape_cast %swap3A_184 : vector<16xf32> to vector<16xf32>
    %swap3A_186 = vector.shape_cast %broadcast_in_dim3A_182 : vector<16xf32> to vector<16xf32>
    tpu.vector_store %arg9[%swap3A_183], %swap3A_186 {strides = array<i32>} : memref<512xf32, #tpu.memory_space<vmem>>, vector<16xf32>,
    %broadcast_in_dim3A_187 = arith.constant 0.000000e+00 : f32
    %broadcast_in_dim3A_188 = vector.broadcast %broadcast_in_dim3A_187 : f32 to vector<16xf32>
    %swap3A_189 = arith.constant 496 : index
    %swap3A_190 = tpu.vector_load %arg9[%swap3A_189] {strides = array<i32>} : memref<512xf32, #tpu.memory_space<vmem>>, vector<16xf32>,
    %swap3A_191 = vector.shape_cast %swap3A_190 : vector<16xf32> to vector<16xf32>
    %swap3A_192 = vector.shape_cast %broadcast_in_dim3A_188 : vector<16xf32> to vector<16xf32>
    tpu.vector_store %arg9[%swap3A_189], %swap3A_192 {strides = array<i32>} : memref<512xf32, #tpu.memory_space<vmem>>, vector<16xf32>,
    %mul3A_193 = arith.constant 512 : i32
    %mul3A_194 = arith.muli %arg1, %mul3A_193 : i32
    "tpu.region"() ({
      %run_scoped3A_321 = tpu.sem_alloc : memref<!tpu.dma_semaphore, #tpu.memory_space<semaphore_mem>>
      %dma_start3A_322 = tpu.memref_slice %arg10[%mul3A_194] : memref<8192xf32, #tpu.memory_space<vmem_shared>> -> memref<512xf32, #tpu.memory_space<vmem_shared>>
      %dma_start3A_323 = tpu.memref_slice %arg10[%mul3A_194] : memref<8192xf32, #tpu.memory_space<vmem_shared>> -> memref<512xf32, #tpu.memory_space<vmem_shared>>
      tpu.enqueue_dma source(%arg9 : memref<512xf32, #tpu.memory_space<vmem>>) target(%dma_start3A_323 : memref<512xf32, #tpu.memory_space<vmem_shared>>) target_semaphore(%run_scoped3A_321 : memref<!tpu.dma_semaphore, #tpu.memory_space<semaphore_mem>>)
      %dma_wait3A_324 = tpu.memref_slice %arg10[%mul3A_194] : memref<8192xf32, #tpu.memory_space<vmem_shared>> -> memref<512xf32, #tpu.memory_space<vmem_shared>>
      %dma_wait3A_325 = tpu.memref_slice %arg10[%mul3A_194] : memref<8192xf32, #tpu.memory_space<vmem_shared>> -> memref<512xf32, #tpu.memory_space<vmem_shared>>
      tpu.wait_dma2 semaphore(%run_scoped3A_321 : memref<!tpu.dma_semaphore, #tpu.memory_space<semaphore_mem>>) src(%arg9 : memref<512xf32, #tpu.memory_space<vmem>>) dst(%dma_wait3A_325 : memref<512xf32, #tpu.memory_space<vmem_shared>>)
      tpu.yield
    }) : () -> ()
    %broadcast_in_dim3A_195 = arith.constant 1.000000e+00 : f32
    %broadcast_in_dim3A_196 = vector.broadcast %broadcast_in_dim3A_195 : f32 to vector<16xf32>
    %swap3A_197 = arith.constant 0 : index
    %swap3A_198 = tpu.vector_load %arg8[%swap3A_197] {strides = array<i32>} : memref<128xf32, #tpu.memory_space<vmem>>, vector<16xf32>,
    %swap3A_199 = vector.shape_cast %swap3A_198 : vector<16xf32> to vector<16xf32>
    %swap3A_200 = vector.shape_cast %broadcast_in_dim3A_196 : vector<16xf32> to vector<16xf32>
    tpu.vector_store %arg8[%swap3A_197], %swap3A_200 {strides = array<i32>} : memref<128xf32, #tpu.memory_space<vmem>>, vector<16xf32>,
    %broadcast_in_dim3A_201 = arith.constant 1.000000e+00 : f32
    %broadcast_in_dim3A_202 = vector.broadcast %broadcast_in_dim3A_201 : f32 to vector<16xf32>
    %swap3A_203 = arith.constant 16 : index
    %swap3A_204 = tpu.vector_load %arg8[%swap3A_203] {strides = array<i32>} : memref<128xf32, #tpu.memory_space<vmem>>, vector<16xf32>,
    %swap3A_205 = vector.shape_cast %swap3A_204 : vector<16xf32> to vector<16xf32>
    %swap3A_206 = vector.shape_cast %broadcast_in_dim3A_202 : vector<16xf32> to vector<16xf32>
    tpu.vector_store %arg8[%swap3A_203], %swap3A_206 {strides = array<i32>} : memref<128xf32, #tpu.memory_space<vmem>>, vector<16xf32>,
    %broadcast_in_dim3A_207 = arith.constant 1.000000e+00 : f32
    %broadcast_in_dim3A_208 = vector.broadcast %broadcast_in_dim3A_207 : f32 to vector<16xf32>
    %swap3A_209 = arith.constant 32 : index
    %swap3A_210 = tpu.vector_load %arg8[%swap3A_209] {strides = array<i32>} : memref<128xf32, #tpu.memory_space<vmem>>, vector<16xf32>,
    %swap3A_211 = vector.shape_cast %swap3A_210 : vector<16xf32> to vector<16xf32>
    %swap3A_212 = vector.shape_cast %broadcast_in_dim3A_208 : vector<16xf32> to vector<16xf32>
    tpu.vector_store %arg8[%swap3A_209], %swap3A_212 {strides = array<i32>} : memref<128xf32, #tpu.memory_space<vmem>>, vector<16xf32>,
    %broadcast_in_dim3A_213 = arith.constant 1.000000e+00 : f32
    %broadcast_in_dim3A_214 = vector.broadcast %broadcast_in_dim3A_213 : f32 to vector<16xf32>
    %swap3A_215 = arith.constant 48 : index
    %swap3A_216 = tpu.vector_load %arg8[%swap3A_215] {strides = array<i32>} : memref<128xf32, #tpu.memory_space<vmem>>, vector<16xf32>,
    %swap3A_217 = vector.shape_cast %swap3A_216 : vector<16xf32> to vector<16xf32>
    %swap3A_218 = vector.shape_cast %broadcast_in_dim3A_214 : vector<16xf32> to vector<16xf32>
    tpu.vector_store %arg8[%swap3A_215], %swap3A_218 {strides = array<i32>} : memref<128xf32, #tpu.memory_space<vmem>>, vector<16xf32>,
    %broadcast_in_dim3A_219 = arith.constant 1.000000e+00 : f32
    %broadcast_in_dim3A_220 = vector.broadcast %broadcast_in_dim3A_219 : f32 to vector<16xf32>
    %swap3A_221 = arith.constant 64 : index
    %swap3A_222 = tpu.vector_load %arg8[%swap3A_221] {strides = array<i32>} : memref<128xf32, #tpu.memory_space<vmem>>, vector<16xf32>,
    %swap3A_223 = vector.shape_cast %swap3A_222 : vector<16xf32> to vector<16xf32>
    %swap3A_224 = vector.shape_cast %broadcast_in_dim3A_220 : vector<16xf32> to vector<16xf32>
    tpu.vector_store %arg8[%swap3A_221], %swap3A_224 {strides = array<i32>} : memref<128xf32, #tpu.memory_space<vmem>>, vector<16xf32>,
    %broadcast_in_dim3A_225 = arith.constant 1.000000e+00 : f32
    %broadcast_in_dim3A_226 = vector.broadcast %broadcast_in_dim3A_225 : f32 to vector<16xf32>
    %swap3A_227 = arith.constant 80 : index
    %swap3A_228 = tpu.vector_load %arg8[%swap3A_227] {strides = array<i32>} : memref<128xf32, #tpu.memory_space<vmem>>, vector<16xf32>,
    %swap3A_229 = vector.shape_cast %swap3A_228 : vector<16xf32> to vector<16xf32>
    %swap3A_230 = vector.shape_cast %broadcast_in_dim3A_226 : vector<16xf32> to vector<16xf32>
    tpu.vector_store %arg8[%swap3A_227], %swap3A_230 {strides = array<i32>} : memref<128xf32, #tpu.memory_space<vmem>>, vector<16xf32>,
    %broadcast_in_dim3A_231 = arith.constant 1.000000e+00 : f32
    %broadcast_in_dim3A_232 = vector.broadcast %broadcast_in_dim3A_231 : f32 to vector<16xf32>
    %swap3A_233 = arith.constant 96 : index
    %swap3A_234 = tpu.vector_load %arg8[%swap3A_233] {strides = array<i32>} : memref<128xf32, #tpu.memory_space<vmem>>, vector<16xf32>,
    %swap3A_235 = vector.shape_cast %swap3A_234 : vector<16xf32> to vector<16xf32>
    %swap3A_236 = vector.shape_cast %broadcast_in_dim3A_232 : vector<16xf32> to vector<16xf32>
    tpu.vector_store %arg8[%swap3A_233], %swap3A_236 {strides = array<i32>} : memref<128xf32, #tpu.memory_space<vmem>>, vector<16xf32>,
    %broadcast_in_dim3A_237 = arith.constant 1.000000e+00 : f32
    %broadcast_in_dim3A_238 = vector.broadcast %broadcast_in_dim3A_237 : f32 to vector<16xf32>
    %swap3A_239 = arith.constant 112 : index
    %swap3A_240 = tpu.vector_load %arg8[%swap3A_239] {strides = array<i32>} : memref<128xf32, #tpu.memory_space<vmem>>, vector<16xf32>,
    %swap3A_241 = vector.shape_cast %swap3A_240 : vector<16xf32> to vector<16xf32>
    %swap3A_242 = vector.shape_cast %broadcast_in_dim3A_238 : vector<16xf32> to vector<16xf32>
    tpu.vector_store %arg8[%swap3A_239], %swap3A_242 {strides = array<i32>} : memref<128xf32, #tpu.memory_space<vmem>>, vector<16xf32>,
    %barrier3A = arith.constant 0 : index
    tpu.barrier barrier_id(%barrier3A)
    %run_scoped3A = arith.constant 0 : i32
    "tpu.region"() ({
      %run_scoped3A_321 = tpu.sem_alloc : memref<!tpu.dma_semaphore, #tpu.memory_space<semaphore_mem>>
      %dma_start3A_322 = arith.constant 0 : i32
      %dma_start3A_323 = tpu.memref_slice %arg6[%run_scoped3A, %dma_start3A_322] : memref<4x128xi32, #tpu.memory_space<vmem>> -> memref<1x128xi32, #tpu.memory_space<vmem>>
      %dma_start3A_324 = tpu.memref_squeeze %dma_start3A_323 : memref<1x128xi32, #tpu.memory_space<vmem>> -> memref<128xi32, #tpu.memory_space<vmem>>
      %dma_start3A_325 = arith.constant 0 : i32
      %dma_start3A_326 = tpu.memref_slice %arg10[%dma_start3A_325] : memref<8192xf32, #tpu.memory_space<vmem_shared>> -> memref<8192xf32, #tpu.memory_space<vmem_shared>>
      tpu.enqueue_indirect_dma source(%arg8 : memref<128xf32, #tpu.memory_space<vmem>>) target(%dma_start3A_326 : memref<8192xf32, #tpu.memory_space<vmem_shared>>) offsets(%dma_start3A_324 : memref<128xi32, #tpu.memory_space<vmem>>) semaphore(%run_scoped3A_321 : memref<!tpu.dma_semaphore, #tpu.memory_space<semaphore_mem>>) {add = true}
      %dma_wait3A_327 = arith.constant 0 : i32
      %dma_wait3A_328 = tpu.memref_slice %arg6[%run_scoped3A, %dma_wait3A_327] : memref<4x128xi32, #tpu.memory_space<vmem>> -> memref<1x128xi32, #tpu.memory_space<vmem>>
      %dma_wait3A_329 = tpu.memref_squeeze %dma_wait3A_328 : memref<1x128xi32, #tpu.memory_space<vmem>> -> memref<128xi32, #tpu.memory_space<vmem>>
      %dma_wait3A_330 = arith.constant 0 : i32
      %dma_wait3A_331 = tpu.memref_slice %arg10[%dma_wait3A_330] : memref<8192xf32, #tpu.memory_space<vmem_shared>> -> memref<8192xf32, #tpu.memory_space<vmem_shared>>
      tpu.wait_indirect_dma semaphore(%run_scoped3A_321 : memref<!tpu.dma_semaphore, #tpu.memory_space<semaphore_mem>>) src(%arg8 : memref<128xf32, #tpu.memory_space<vmem>>) dst(%dma_wait3A_331 : memref<8192xf32, #tpu.memory_space<vmem_shared>>)
      tpu.yield
    }) : () -> ()
    %run_scoped3A_243 = arith.constant 1 : i32
    "tpu.region"() ({
      %run_scoped3A_321 = tpu.sem_alloc : memref<!tpu.dma_semaphore, #tpu.memory_space<semaphore_mem>>
      %dma_start3A_322 = arith.constant 0 : i32
      %dma_start3A_323 = tpu.memref_slice %arg6[%run_scoped3A_243, %dma_start3A_322] : memref<4x128xi32, #tpu.memory_space<vmem>> -> memref<1x128xi32, #tpu.memory_space<vmem>>
      %dma_start3A_324 = tpu.memref_squeeze %dma_start3A_323 : memref<1x128xi32, #tpu.memory_space<vmem>> -> memref<128xi32, #tpu.memory_space<vmem>>
      %dma_start3A_325 = arith.constant 0 : i32
      %dma_start3A_326 = tpu.memref_slice %arg10[%dma_start3A_325] : memref<8192xf32, #tpu.memory_space<vmem_shared>> -> memref<8192xf32, #tpu.memory_space<vmem_shared>>
      tpu.enqueue_indirect_dma source(%arg8 : memref<128xf32, #tpu.memory_space<vmem>>) target(%dma_start3A_326 : memref<8192xf32, #tpu.memory_space<vmem_shared>>) offsets(%dma_start3A_324 : memref<128xi32, #tpu.memory_space<vmem>>) semaphore(%run_scoped3A_321 : memref<!tpu.dma_semaphore, #tpu.memory_space<semaphore_mem>>) {add = true}
      %dma_wait3A_327 = arith.constant 0 : i32
      %dma_wait3A_328 = tpu.memref_slice %arg6[%run_scoped3A_243, %dma_wait3A_327] : memref<4x128xi32, #tpu.memory_space<vmem>> -> memref<1x128xi32, #tpu.memory_space<vmem>>
      %dma_wait3A_329 = tpu.memref_squeeze %dma_wait3A_328 : memref<1x128xi32, #tpu.memory_space<vmem>> -> memref<128xi32, #tpu.memory_space<vmem>>
      %dma_wait3A_330 = arith.constant 0 : i32
      %dma_wait3A_331 = tpu.memref_slice %arg10[%dma_wait3A_330] : memref<8192xf32, #tpu.memory_space<vmem_shared>> -> memref<8192xf32, #tpu.memory_space<vmem_shared>>
      tpu.wait_indirect_dma semaphore(%run_scoped3A_321 : memref<!tpu.dma_semaphore, #tpu.memory_space<semaphore_mem>>) src(%arg8 : memref<128xf32, #tpu.memory_space<vmem>>) dst(%dma_wait3A_331 : memref<8192xf32, #tpu.memory_space<vmem_shared>>)
      tpu.yield
    }) : () -> ()
    %run_scoped3A_244 = arith.constant 2 : i32
    "tpu.region"() ({
      %run_scoped3A_321 = tpu.sem_alloc : memref<!tpu.dma_semaphore, #tpu.memory_space<semaphore_mem>>
      %dma_start3A_322 = arith.constant 0 : i32
      %dma_start3A_323 = tpu.memref_slice %arg6[%run_scoped3A_244, %dma_start3A_322] : memref<4x128xi32, #tpu.memory_space<vmem>> -> memref<1x128xi32, #tpu.memory_space<vmem>>
      %dma_start3A_324 = tpu.memref_squeeze %dma_start3A_323 : memref<1x128xi32, #tpu.memory_space<vmem>> -> memref<128xi32, #tpu.memory_space<vmem>>
      %dma_start3A_325 = arith.constant 0 : i32
      %dma_start3A_326 = tpu.memref_slice %arg10[%dma_start3A_325] : memref<8192xf32, #tpu.memory_space<vmem_shared>> -> memref<8192xf32, #tpu.memory_space<vmem_shared>>
      tpu.enqueue_indirect_dma source(%arg8 : memref<128xf32, #tpu.memory_space<vmem>>) target(%dma_start3A_326 : memref<8192xf32, #tpu.memory_space<vmem_shared>>) offsets(%dma_start3A_324 : memref<128xi32, #tpu.memory_space<vmem>>) semaphore(%run_scoped3A_321 : memref<!tpu.dma_semaphore, #tpu.memory_space<semaphore_mem>>) {add = true}
      %dma_wait3A_327 = arith.constant 0 : i32
      %dma_wait3A_328 = tpu.memref_slice %arg6[%run_scoped3A_244, %dma_wait3A_327] : memref<4x128xi32, #tpu.memory_space<vmem>> -> memref<1x128xi32, #tpu.memory_space<vmem>>
      %dma_wait3A_329 = tpu.memref_squeeze %dma_wait3A_328 : memref<1x128xi32, #tpu.memory_space<vmem>> -> memref<128xi32, #tpu.memory_space<vmem>>
      %dma_wait3A_330 = arith.constant 0 : i32
      %dma_wait3A_331 = tpu.memref_slice %arg10[%dma_wait3A_330] : memref<8192xf32, #tpu.memory_space<vmem_shared>> -> memref<8192xf32, #tpu.memory_space<vmem_shared>>
      tpu.wait_indirect_dma semaphore(%run_scoped3A_321 : memref<!tpu.dma_semaphore, #tpu.memory_space<semaphore_mem>>) src(%arg8 : memref<128xf32, #tpu.memory_space<vmem>>) dst(%dma_wait3A_331 : memref<8192xf32, #tpu.memory_space<vmem_shared>>)
      tpu.yield
    }) : () -> ()
    %run_scoped3A_245 = arith.constant 3 : i32
    "tpu.region"() ({
      %run_scoped3A_321 = tpu.sem_alloc : memref<!tpu.dma_semaphore, #tpu.memory_space<semaphore_mem>>
      %dma_start3A_322 = arith.constant 0 : i32
      %dma_start3A_323 = tpu.memref_slice %arg6[%run_scoped3A_245, %dma_start3A_322] : memref<4x128xi32, #tpu.memory_space<vmem>> -> memref<1x128xi32, #tpu.memory_space<vmem>>
      %dma_start3A_324 = tpu.memref_squeeze %dma_start3A_323 : memref<1x128xi32, #tpu.memory_space<vmem>> -> memref<128xi32, #tpu.memory_space<vmem>>
      %dma_start3A_325 = arith.constant 0 : i32
      %dma_start3A_326 = tpu.memref_slice %arg10[%dma_start3A_325] : memref<8192xf32, #tpu.memory_space<vmem_shared>> -> memref<8192xf32, #tpu.memory_space<vmem_shared>>
      tpu.enqueue_indirect_dma source(%arg8 : memref<128xf32, #tpu.memory_space<vmem>>) target(%dma_start3A_326 : memref<8192xf32, #tpu.memory_space<vmem_shared>>) offsets(%dma_start3A_324 : memref<128xi32, #tpu.memory_space<vmem>>) semaphore(%run_scoped3A_321 : memref<!tpu.dma_semaphore, #tpu.memory_space<semaphore_mem>>) {add = true}
      %dma_wait3A_327 = arith.constant 0 : i32
      %dma_wait3A_328 = tpu.memref_slice %arg6[%run_scoped3A_245, %dma_wait3A_327] : memref<4x128xi32, #tpu.memory_space<vmem>> -> memref<1x128xi32, #tpu.memory_space<vmem>>
      %dma_wait3A_329 = tpu.memref_squeeze %dma_wait3A_328 : memref<1x128xi32, #tpu.memory_space<vmem>> -> memref<128xi32, #tpu.memory_space<vmem>>
      %dma_wait3A_330 = arith.constant 0 : i32
      %dma_wait3A_331 = tpu.memref_slice %arg10[%dma_wait3A_330] : memref<8192xf32, #tpu.memory_space<vmem_shared>> -> memref<8192xf32, #tpu.memory_space<vmem_shared>>
      tpu.wait_indirect_dma semaphore(%run_scoped3A_321 : memref<!tpu.dma_semaphore, #tpu.memory_space<semaphore_mem>>) src(%arg8 : memref<128xf32, #tpu.memory_space<vmem>>) dst(%dma_wait3A_331 : memref<8192xf32, #tpu.memory_space<vmem_shared>>)
      tpu.yield
    }) : () -> ()
    %dma_start3A = arith.constant 0 : i32
    %dma_start3A_246 = arith.constant 0 : i32
    %dma_start3A_247 = tpu.memref_slice %arg6[%dma_start3A, %dma_start3A_246] : memref<4x128xi32, #tpu.memory_space<vmem>> -> memref<1x128xi32, #tpu.memory_space<vmem>>
    %dma_start3A_248 = tpu.memref_squeeze %dma_start3A_247 : memref<1x128xi32, #tpu.memory_space<vmem>> -> memref<128xi32, #tpu.memory_space<vmem>>
    %dma_start3A_249 = arith.constant 0 : i32
    %dma_start3A_250 = arith.constant 0 : i32
    %dma_start3A_251 = tpu.memref_slice %arg2[%dma_start3A_249, %dma_start3A_250] : memref<8192x256xf32, #tpu.memory_space<hbm>> -> memref<8192x256xf32, #tpu.memory_space<hbm>>
    tpu.enqueue_indirect_dma source(%dma_start3A_251 : memref<8192x256xf32, #tpu.memory_space<hbm>>) target(%arg7 : memref<128x256xf32, #tpu.memory_space<vmem>>) offsets(%dma_start3A_248 : memref<128xi32, #tpu.memory_space<vmem>>) semaphore(%arg11 : memref<!tpu.dma_semaphore, #tpu.memory_space<semaphore_mem>>)
    %dma_wait3A = arith.constant 0 : i32
    %dma_wait3A_252 = arith.constant 0 : i32
    %dma_wait3A_253 = tpu.memref_slice %arg6[%dma_wait3A, %dma_wait3A_252] : memref<4x128xi32, #tpu.memory_space<vmem>> -> memref<1x128xi32, #tpu.memory_space<vmem>>
    %dma_wait3A_254 = tpu.memref_squeeze %dma_wait3A_253 : memref<1x128xi32, #tpu.memory_space<vmem>> -> memref<128xi32, #tpu.memory_space<vmem>>
    %dma_wait3A_255 = arith.constant 0 : i32
    %dma_wait3A_256 = arith.constant 0 : i32
    %dma_wait3A_257 = tpu.memref_slice %arg2[%dma_wait3A_255, %dma_wait3A_256] : memref<8192x256xf32, #tpu.memory_space<hbm>> -> memref<8192x256xf32, #tpu.memory_space<hbm>>
    tpu.wait_indirect_dma semaphore(%arg11 : memref<!tpu.dma_semaphore, #tpu.memory_space<semaphore_mem>>) src(%dma_wait3A_257 : memref<8192x256xf32, #tpu.memory_space<hbm>>) dst(%arg7 : memref<128x256xf32, #tpu.memory_space<vmem>>)
    %mul3A_258 = arith.constant 512 : i32
    %mul3A_259 = arith.muli %add3A, %mul3A_258 : i32
    %add3A_260 = arith.constant 0 : i32
    %add3A_261 = arith.addi %mul3A_259, %add3A_260 : i32
    "tpu.region"() ({
      %run_scoped3A_321 = tpu.sem_alloc : memref<!tpu.dma_semaphore, #tpu.memory_space<semaphore_mem>>
      %dma_start3A_322 = arith.constant 0 : i32
      %dma_start3A_323 = tpu.memref_slice %arg4[%add3A_261, %dma_start3A_322] : memref<16384x256xf32, #tpu.memory_space<hbm>> -> memref<128x256xf32, #tpu.memory_space<hbm>>
      %dma_start3A_324 = arith.constant 0 : i32
      %dma_start3A_325 = tpu.memref_slice %arg4[%add3A_261, %dma_start3A_324] : memref<16384x256xf32, #tpu.memory_space<hbm>> -> memref<128x256xf32, #tpu.memory_space<hbm>>
      tpu.enqueue_dma source(%arg7 : memref<128x256xf32, #tpu.memory_space<vmem>>) target(%dma_start3A_325 : memref<128x256xf32, #tpu.memory_space<hbm>>) target_semaphore(%run_scoped3A_321 : memref<!tpu.dma_semaphore, #tpu.memory_space<semaphore_mem>>)
      %dma_wait3A_326 = arith.constant 0 : i32
      %dma_wait3A_327 = tpu.memref_slice %arg4[%add3A_261, %dma_wait3A_326] : memref<16384x256xf32, #tpu.memory_space<hbm>> -> memref<128x256xf32, #tpu.memory_space<hbm>>
      %dma_wait3A_328 = arith.constant 0 : i32
      %dma_wait3A_329 = tpu.memref_slice %arg4[%add3A_261, %dma_wait3A_328] : memref<16384x256xf32, #tpu.memory_space<hbm>> -> memref<128x256xf32, #tpu.memory_space<hbm>>
      tpu.wait_dma2 semaphore(%run_scoped3A_321 : memref<!tpu.dma_semaphore, #tpu.memory_space<semaphore_mem>>) src(%arg7 : memref<128x256xf32, #tpu.memory_space<vmem>>) dst(%dma_wait3A_329 : memref<128x256xf32, #tpu.memory_space<hbm>>)
      tpu.yield
    }) : () -> ()
    %dma_start3A_262 = arith.constant 1 : i32
    %dma_start3A_263 = arith.constant 0 : i32
    %dma_start3A_264 = tpu.memref_slice %arg6[%dma_start3A_262, %dma_start3A_263] : memref<4x128xi32, #tpu.memory_space<vmem>> -> memref<1x128xi32, #tpu.memory_space<vmem>>
    %dma_start3A_265 = tpu.memref_squeeze %dma_start3A_264 : memref<1x128xi32, #tpu.memory_space<vmem>> -> memref<128xi32, #tpu.memory_space<vmem>>
    %dma_start3A_266 = arith.constant 0 : i32
    %dma_start3A_267 = arith.constant 0 : i32
    %dma_start3A_268 = tpu.memref_slice %arg2[%dma_start3A_266, %dma_start3A_267] : memref<8192x256xf32, #tpu.memory_space<hbm>> -> memref<8192x256xf32, #tpu.memory_space<hbm>>
    tpu.enqueue_indirect_dma source(%dma_start3A_268 : memref<8192x256xf32, #tpu.memory_space<hbm>>) target(%arg7 : memref<128x256xf32, #tpu.memory_space<vmem>>) offsets(%dma_start3A_265 : memref<128xi32, #tpu.memory_space<vmem>>) semaphore(%arg11 : memref<!tpu.dma_semaphore, #tpu.memory_space<semaphore_mem>>)
    %dma_wait3A_269 = arith.constant 1 : i32
    %dma_wait3A_270 = arith.constant 0 : i32
    %dma_wait3A_271 = tpu.memref_slice %arg6[%dma_wait3A_269, %dma_wait3A_270] : memref<4x128xi32, #tpu.memory_space<vmem>> -> memref<1x128xi32, #tpu.memory_space<vmem>>
    %dma_wait3A_272 = tpu.memref_squeeze %dma_wait3A_271 : memref<1x128xi32, #tpu.memory_space<vmem>> -> memref<128xi32, #tpu.memory_space<vmem>>
    %dma_wait3A_273 = arith.constant 0 : i32
    %dma_wait3A_274 = arith.constant 0 : i32
    %dma_wait3A_275 = tpu.memref_slice %arg2[%dma_wait3A_273, %dma_wait3A_274] : memref<8192x256xf32, #tpu.memory_space<hbm>> -> memref<8192x256xf32, #tpu.memory_space<hbm>>
    tpu.wait_indirect_dma semaphore(%arg11 : memref<!tpu.dma_semaphore, #tpu.memory_space<semaphore_mem>>) src(%dma_wait3A_275 : memref<8192x256xf32, #tpu.memory_space<hbm>>) dst(%arg7 : memref<128x256xf32, #tpu.memory_space<vmem>>)
    %mul3A_276 = arith.constant 512 : i32
    %mul3A_277 = arith.muli %add3A, %mul3A_276 : i32
    %add3A_278 = arith.constant 128 : i32
    %add3A_279 = arith.addi %mul3A_277, %add3A_278 : i32
    "tpu.region"() ({
      %run_scoped3A_321 = tpu.sem_alloc : memref<!tpu.dma_semaphore, #tpu.memory_space<semaphore_mem>>
      %dma_start3A_322 = arith.constant 0 : i32
      %dma_start3A_323 = tpu.memref_slice %arg4[%add3A_279, %dma_start3A_322] : memref<16384x256xf32, #tpu.memory_space<hbm>> -> memref<128x256xf32, #tpu.memory_space<hbm>>
      %dma_start3A_324 = arith.constant 0 : i32
      %dma_start3A_325 = tpu.memref_slice %arg4[%add3A_279, %dma_start3A_324] : memref<16384x256xf32, #tpu.memory_space<hbm>> -> memref<128x256xf32, #tpu.memory_space<hbm>>
      tpu.enqueue_dma source(%arg7 : memref<128x256xf32, #tpu.memory_space<vmem>>) target(%dma_start3A_325 : memref<128x256xf32, #tpu.memory_space<hbm>>) target_semaphore(%run_scoped3A_321 : memref<!tpu.dma_semaphore, #tpu.memory_space<semaphore_mem>>)
      %dma_wait3A_326 = arith.constant 0 : i32
      %dma_wait3A_327 = tpu.memref_slice %arg4[%add3A_279, %dma_wait3A_326] : memref<16384x256xf32, #tpu.memory_space<hbm>> -> memref<128x256xf32, #tpu.memory_space<hbm>>
      %dma_wait3A_328 = arith.constant 0 : i32
      %dma_wait3A_329 = tpu.memref_slice %arg4[%add3A_279, %dma_wait3A_328] : memref<16384x256xf32, #tpu.memory_space<hbm>> -> memref<128x256xf32, #tpu.memory_space<hbm>>
      tpu.wait_dma2 semaphore(%run_scoped3A_321 : memref<!tpu.dma_semaphore, #tpu.memory_space<semaphore_mem>>) src(%arg7 : memref<128x256xf32, #tpu.memory_space<vmem>>) dst(%dma_wait3A_329 : memref<128x256xf32, #tpu.memory_space<hbm>>)
      tpu.yield
    }) : () -> ()
    %dma_start3A_280 = arith.constant 2 : i32
    %dma_start3A_281 = arith.constant 0 : i32
    %dma_start3A_282 = tpu.memref_slice %arg6[%dma_start3A_280, %dma_start3A_281] : memref<4x128xi32, #tpu.memory_space<vmem>> -> memref<1x128xi32, #tpu.memory_space<vmem>>
    %dma_start3A_283 = tpu.memref_squeeze %dma_start3A_282 : memref<1x128xi32, #tpu.memory_space<vmem>> -> memref<128xi32, #tpu.memory_space<vmem>>
    %dma_start3A_284 = arith.constant 0 : i32
    %dma_start3A_285 = arith.constant 0 : i32
    %dma_start3A_286 = tpu.memref_slice %arg2[%dma_start3A_284, %dma_start3A_285] : memref<8192x256xf32, #tpu.memory_space<hbm>> -> memref<8192x256xf32, #tpu.memory_space<hbm>>
    tpu.enqueue_indirect_dma source(%dma_start3A_286 : memref<8192x256xf32, #tpu.memory_space<hbm>>) target(%arg7 : memref<128x256xf32, #tpu.memory_space<vmem>>) offsets(%dma_start3A_283 : memref<128xi32, #tpu.memory_space<vmem>>) semaphore(%arg11 : memref<!tpu.dma_semaphore, #tpu.memory_space<semaphore_mem>>)
    %dma_wait3A_287 = arith.constant 2 : i32
    %dma_wait3A_288 = arith.constant 0 : i32
    %dma_wait3A_289 = tpu.memref_slice %arg6[%dma_wait3A_287, %dma_wait3A_288] : memref<4x128xi32, #tpu.memory_space<vmem>> -> memref<1x128xi32, #tpu.memory_space<vmem>>
    %dma_wait3A_290 = tpu.memref_squeeze %dma_wait3A_289 : memref<1x128xi32, #tpu.memory_space<vmem>> -> memref<128xi32, #tpu.memory_space<vmem>>
    %dma_wait3A_291 = arith.constant 0 : i32
    %dma_wait3A_292 = arith.constant 0 : i32
    %dma_wait3A_293 = tpu.memref_slice %arg2[%dma_wait3A_291, %dma_wait3A_292] : memref<8192x256xf32, #tpu.memory_space<hbm>> -> memref<8192x256xf32, #tpu.memory_space<hbm>>
    tpu.wait_indirect_dma semaphore(%arg11 : memref<!tpu.dma_semaphore, #tpu.memory_space<semaphore_mem>>) src(%dma_wait3A_293 : memref<8192x256xf32, #tpu.memory_space<hbm>>) dst(%arg7 : memref<128x256xf32, #tpu.memory_space<vmem>>)
    %mul3A_294 = arith.constant 512 : i32
    %mul3A_295 = arith.muli %add3A, %mul3A_294 : i32
    %add3A_296 = arith.constant 256 : i32
    %add3A_297 = arith.addi %mul3A_295, %add3A_296 : i32
    "tpu.region"() ({
      %run_scoped3A_321 = tpu.sem_alloc : memref<!tpu.dma_semaphore, #tpu.memory_space<semaphore_mem>>
      %dma_start3A_322 = arith.constant 0 : i32
      %dma_start3A_323 = tpu.memref_slice %arg4[%add3A_297, %dma_start3A_322] : memref<16384x256xf32, #tpu.memory_space<hbm>> -> memref<128x256xf32, #tpu.memory_space<hbm>>
      %dma_start3A_324 = arith.constant 0 : i32
      %dma_start3A_325 = tpu.memref_slice %arg4[%add3A_297, %dma_start3A_324] : memref<16384x256xf32, #tpu.memory_space<hbm>> -> memref<128x256xf32, #tpu.memory_space<hbm>>
      tpu.enqueue_dma source(%arg7 : memref<128x256xf32, #tpu.memory_space<vmem>>) target(%dma_start3A_325 : memref<128x256xf32, #tpu.memory_space<hbm>>) target_semaphore(%run_scoped3A_321 : memref<!tpu.dma_semaphore, #tpu.memory_space<semaphore_mem>>)
      %dma_wait3A_326 = arith.constant 0 : i32
      %dma_wait3A_327 = tpu.memref_slice %arg4[%add3A_297, %dma_wait3A_326] : memref<16384x256xf32, #tpu.memory_space<hbm>> -> memref<128x256xf32, #tpu.memory_space<hbm>>
      %dma_wait3A_328 = arith.constant 0 : i32
      %dma_wait3A_329 = tpu.memref_slice %arg4[%add3A_297, %dma_wait3A_328] : memref<16384x256xf32, #tpu.memory_space<hbm>> -> memref<128x256xf32, #tpu.memory_space<hbm>>
      tpu.wait_dma2 semaphore(%run_scoped3A_321 : memref<!tpu.dma_semaphore, #tpu.memory_space<semaphore_mem>>) src(%arg7 : memref<128x256xf32, #tpu.memory_space<vmem>>) dst(%dma_wait3A_329 : memref<128x256xf32, #tpu.memory_space<hbm>>)
      tpu.yield
    }) : () -> ()
    %dma_start3A_298 = arith.constant 3 : i32
    %dma_start3A_299 = arith.constant 0 : i32
    %dma_start3A_300 = tpu.memref_slice %arg6[%dma_start3A_298, %dma_start3A_299] : memref<4x128xi32, #tpu.memory_space<vmem>> -> memref<1x128xi32, #tpu.memory_space<vmem>>
    %dma_start3A_301 = tpu.memref_squeeze %dma_start3A_300 : memref<1x128xi32, #tpu.memory_space<vmem>> -> memref<128xi32, #tpu.memory_space<vmem>>
    %dma_start3A_302 = arith.constant 0 : i32
    %dma_start3A_303 = arith.constant 0 : i32
    %dma_start3A_304 = tpu.memref_slice %arg2[%dma_start3A_302, %dma_start3A_303] : memref<8192x256xf32, #tpu.memory_space<hbm>> -> memref<8192x256xf32, #tpu.memory_space<hbm>>
    tpu.enqueue_indirect_dma source(%dma_start3A_304 : memref<8192x256xf32, #tpu.memory_space<hbm>>) target(%arg7 : memref<128x256xf32, #tpu.memory_space<vmem>>) offsets(%dma_start3A_301 : memref<128xi32, #tpu.memory_space<vmem>>) semaphore(%arg11 : memref<!tpu.dma_semaphore, #tpu.memory_space<semaphore_mem>>)
    %dma_wait3A_305 = arith.constant 3 : i32
    %dma_wait3A_306 = arith.constant 0 : i32
    %dma_wait3A_307 = tpu.memref_slice %arg6[%dma_wait3A_305, %dma_wait3A_306] : memref<4x128xi32, #tpu.memory_space<vmem>> -> memref<1x128xi32, #tpu.memory_space<vmem>>
    %dma_wait3A_308 = tpu.memref_squeeze %dma_wait3A_307 : memref<1x128xi32, #tpu.memory_space<vmem>> -> memref<128xi32, #tpu.memory_space<vmem>>
    %dma_wait3A_309 = arith.constant 0 : i32
    %dma_wait3A_310 = arith.constant 0 : i32
    %dma_wait3A_311 = tpu.memref_slice %arg2[%dma_wait3A_309, %dma_wait3A_310] : memref<8192x256xf32, #tpu.memory_space<hbm>> -> memref<8192x256xf32, #tpu.memory_space<hbm>>
    tpu.wait_indirect_dma semaphore(%arg11 : memref<!tpu.dma_semaphore, #tpu.memory_space<semaphore_mem>>) src(%dma_wait3A_311 : memref<8192x256xf32, #tpu.memory_space<hbm>>) dst(%arg7 : memref<128x256xf32, #tpu.memory_space<vmem>>)
    %mul3A_312 = arith.constant 512 : i32
    %mul3A_313 = arith.muli %add3A, %mul3A_312 : i32
    %add3A_314 = arith.constant 384 : i32
    %add3A_315 = arith.addi %mul3A_313, %add3A_314 : i32
    "tpu.region"() ({
      %run_scoped3A_321 = tpu.sem_alloc : memref<!tpu.dma_semaphore, #tpu.memory_space<semaphore_mem>>
      %dma_start3A_322 = arith.constant 0 : i32
      %dma_start3A_323 = tpu.memref_slice %arg4[%add3A_315, %dma_start3A_322] : memref<16384x256xf32, #tpu.memory_space<hbm>> -> memref<128x256xf32, #tpu.memory_space<hbm>>
      %dma_start3A_324 = arith.constant 0 : i32
      %dma_start3A_325 = tpu.memref_slice %arg4[%add3A_315, %dma_start3A_324] : memref<16384x256xf32, #tpu.memory_space<hbm>> -> memref<128x256xf32, #tpu.memory_space<hbm>>
      tpu.enqueue_dma source(%arg7 : memref<128x256xf32, #tpu.memory_space<vmem>>) target(%dma_start3A_325 : memref<128x256xf32, #tpu.memory_space<hbm>>) target_semaphore(%run_scoped3A_321 : memref<!tpu.dma_semaphore, #tpu.memory_space<semaphore_mem>>)
      %dma_wait3A_326 = arith.constant 0 : i32
      %dma_wait3A_327 = tpu.memref_slice %arg4[%add3A_315, %dma_wait3A_326] : memref<16384x256xf32, #tpu.memory_space<hbm>> -> memref<128x256xf32, #tpu.memory_space<hbm>>
      %dma_wait3A_328 = arith.constant 0 : i32
      %dma_wait3A_329 = tpu.memref_slice %arg4[%add3A_315, %dma_wait3A_328] : memref<16384x256xf32, #tpu.memory_space<hbm>> -> memref<128x256xf32, #tpu.memory_space<hbm>>
      tpu.wait_dma2 semaphore(%run_scoped3A_321 : memref<!tpu.dma_semaphore, #tpu.memory_space<semaphore_mem>>) src(%arg7 : memref<128x256xf32, #tpu.memory_space<vmem>>) dst(%dma_wait3A_329 : memref<128x256xf32, #tpu.memory_space<hbm>>)
      tpu.yield
    }) : () -> ()
    %barrier3A_316 = arith.constant 0 : index
    tpu.barrier barrier_id(%barrier3A_316)
    %mul3A_317 = arith.constant 512 : i32
    %mul3A_318 = arith.muli %arg1, %mul3A_317 : i32
    "tpu.region"() ({
      %run_scoped3A_321 = tpu.sem_alloc : memref<!tpu.dma_semaphore, #tpu.memory_space<semaphore_mem>>
      %dma_start3A_322 = tpu.memref_slice %arg10[%mul3A_318] : memref<8192xf32, #tpu.memory_space<vmem_shared>> -> memref<512xf32, #tpu.memory_space<vmem_shared>>
      %dma_start3A_323 = tpu.memref_slice %arg10[%mul3A_318] : memref<8192xf32, #tpu.memory_space<vmem_shared>> -> memref<512xf32, #tpu.memory_space<vmem_shared>>
      tpu.enqueue_dma source(%dma_start3A_323 : memref<512xf32, #tpu.memory_space<vmem_shared>>) target(%arg9 : memref<512xf32, #tpu.memory_space<vmem>>) target_semaphore(%run_scoped3A_321 : memref<!tpu.dma_semaphore, #tpu.memory_space<semaphore_mem>>)
      %dma_wait3A_324 = tpu.memref_slice %arg10[%mul3A_318] : memref<8192xf32, #tpu.memory_space<vmem_shared>> -> memref<512xf32, #tpu.memory_space<vmem_shared>>
      %dma_wait3A_325 = tpu.memref_slice %arg10[%mul3A_318] : memref<8192xf32, #tpu.memory_space<vmem_shared>> -> memref<512xf32, #tpu.memory_space<vmem_shared>>
      tpu.wait_dma2 semaphore(%run_scoped3A_321 : memref<!tpu.dma_semaphore, #tpu.memory_space<semaphore_mem>>) src(%dma_wait3A_325 : memref<512xf32, #tpu.memory_space<vmem_shared>>) dst(%arg9 : memref<512xf32, #tpu.memory_space<vmem>>)
      tpu.yield
    }) : () -> ()
    %mul3A_319 = arith.constant 512 : i32
    %mul3A_320 = arith.muli %arg1, %mul3A_319 : i32
    "tpu.region"() ({
      %run_scoped3A_321 = tpu.sem_alloc : memref<!tpu.dma_semaphore, #tpu.memory_space<semaphore_mem>>
      %dma_start3A_322 = tpu.memref_slice %arg5[%arg0, %mul3A_320] : memref<2x8192xf32, #tpu.memory_space<hbm>> -> memref<1x512xf32, #tpu.memory_space<hbm>>
      %dma_start3A_323 = tpu.memref_squeeze %dma_start3A_322 : memref<1x512xf32, #tpu.memory_space<hbm>> -> memref<512xf32, #tpu.memory_space<hbm>>
      %dma_start3A_324 = tpu.memref_slice %arg5[%arg0, %mul3A_320] : memref<2x8192xf32, #tpu.memory_space<hbm>> -> memref<1x512xf32, #tpu.memory_space<hbm>>
      %dma_start3A_325 = tpu.memref_squeeze %dma_start3A_324 : memref<1x512xf32, #tpu.memory_space<hbm>> -> memref<512xf32, #tpu.memory_space<hbm>>
      tpu.enqueue_dma source(%arg9 : memref<512xf32, #tpu.memory_space<vmem>>) target(%dma_start3A_325 : memref<512xf32, #tpu.memory_space<hbm>>) target_semaphore(%run_scoped3A_321 : memref<!tpu.dma_semaphore, #tpu.memory_space<semaphore_mem>>)
      %dma_wait3A_326 = tpu.memref_slice %arg5[%arg0, %mul3A_320] : memref<2x8192xf32, #tpu.memory_space<hbm>> -> memref<1x512xf32, #tpu.memory_space<hbm>>
      %dma_wait3A_327 = tpu.memref_squeeze %dma_wait3A_326 : memref<1x512xf32, #tpu.memory_space<hbm>> -> memref<512xf32, #tpu.memory_space<hbm>>
      %dma_wait3A_328 = tpu.memref_slice %arg5[%arg0, %mul3A_320] : memref<2x8192xf32, #tpu.memory_space<hbm>> -> memref<1x512xf32, #tpu.memory_space<hbm>>
      %dma_wait3A_329 = tpu.memref_squeeze %dma_wait3A_328 : memref<1x512xf32, #tpu.memory_space<hbm>> -> memref<512xf32, #tpu.memory_space<hbm>>
      tpu.wait_dma2 semaphore(%run_scoped3A_321 : memref<!tpu.dma_semaphore, #tpu.memory_space<semaphore_mem>>) src(%arg9 : memref<512xf32, #tpu.memory_space<vmem>>) dst(%dma_wait3A_329 : memref<512xf32, #tpu.memory_space<hbm>>)
      tpu.yield
    }) : () -> ()
    return
  }
}

module attributes {stable_mosaic.version = 14 : i64} {
  func.func @_finish_body(%arg0: i32, %arg1: memref<1x1024x256xf32, #tpu.memory_space<vmem>>, %arg2: memref<2x8192xf32, #tpu.memory_space<vmem>>, %arg3: memref<1x1xf32, #tpu.memory_space<smem>>, %arg4: memref<1x256x1024xf32, #tpu.memory_space<vmem>>, %arg5: memref<1x1xf32, #tpu.memory_space<smem>>, %arg6: memref<1x1xf32, #tpu.memory_space<smem>>) attributes {dimension_semantics = [#tpu.dimension_semantics<arbitrary>], iteration_bounds = array<i64: 16>, scalar_prefetch = 0 : i64, scratch_operands = 0 : i64, tpu.core_type = #tpu.core_type<tc>, window_params = [{transform_indices = @transform_0, window_bounds = array<i64: 1, 1024, 256>}, {pipeline_mode = #tpu.pipeline_mode<synchronous>, transform_indices = @transform_1, window_bounds = array<i64: 2, 8192>}, {transform_indices = @transform_2, window_bounds = array<i64: 1, 1>}, {transform_indices = @transform_3, window_bounds = array<i64: 1, 256, 1024>}, {transform_indices = @transform_4, window_bounds = array<i64: 1, 1>}, {transform_indices = @transform_5, window_bounds = array<i64: 1, 1>}]} {
    %get3A = arith.constant 0 : index
    %get3A_0 = arith.constant 0 : index
    %get3A_1 = arith.constant 0 : index
    %get3A_2 = vector.load %arg1[%get3A, %get3A_0, %get3A_1] : memref<1x1024x256xf32, #tpu.memory_space<vmem>>, vector<1x1024x256xf32>
    %get3A_3 = vector.shape_cast %get3A_2 : vector<1x1024x256xf32> to vector<1024x256xf32>
    %transpose3A = tpu.transpose %get3A_3, [1, 0] : vector<1024x256xf32> -> vector<256x1024xf32>
    %swap3A = arith.constant 0 : index
    %swap3A_4 = arith.constant 0 : index
    %swap3A_5 = arith.constant 0 : index
    %swap3A_6 = vector.load %arg4[%swap3A, %swap3A_4, %swap3A_5] : memref<1x256x1024xf32, #tpu.memory_space<vmem>>, vector<1x256x1024xf32>
    %swap3A_7 = vector.shape_cast %swap3A_6 : vector<1x256x1024xf32> to vector<256x1024xf32>
    %swap3A_8 = vector.shape_cast %transpose3A : vector<256x1024xf32> to vector<1x256x1024xf32>
    tpu.vector_store %arg4[%swap3A, %swap3A_4, %swap3A_5], %swap3A_8 {strides = array<i32>} : memref<1x256x1024xf32, #tpu.memory_space<vmem>>, vector<1x256x1024xf32>,
    %eq3A = arith.constant 0 : i32
    %eq3A_9 = arith.cmpi eq, %arg0, %eq3A : i32
    %convert_element_type3A = arith.extui %eq3A_9 : i1 to i32
    %cond3A = arith.constant 0 : i32
    %cond3A_10 = arith.cmpi ne, %convert_element_type3A, %cond3A : i32
    scf.if %cond3A_10 {
      %get3A_11 = arith.constant 0 : index
      %get3A_12 = arith.constant 0 : index
      %get3A_13 = vector.load %arg2[%get3A_11, %get3A_12] : memref<2x8192xf32, #tpu.memory_space<vmem>>, vector<1x8192xf32>
      %get3A_14 = vector.shape_cast %get3A_13 : vector<1x8192xf32> to vector<8192xf32>
      %get3A_15 = arith.constant 1 : index
      %get3A_16 = arith.constant 0 : index
      %get3A_17 = vector.load %arg2[%get3A_15, %get3A_16] : memref<2x8192xf32, #tpu.memory_space<vmem>>, vector<1x8192xf32>
      %get3A_18 = vector.shape_cast %get3A_17 : vector<1x8192xf32> to vector<8192xf32>
      %add3A = arith.addf %get3A_14, %get3A_18 : vector<8192xf32>
      %mul3A = arith.constant 6.10351563E-5 : f32
      %mul3A_19 = vector.broadcast %mul3A : f32 to vector<8192xf32>
      %mul3A_20 = arith.mulf %add3A, %mul3A_19 : vector<8192xf32>
      %add3A_21 = arith.constant 1.000000e-10 : f32
      %add3A_22 = vector.broadcast %add3A_21 : f32 to vector<8192xf32>
      %add3A_23 = arith.addf %mul3A_20, %add3A_22 : vector<8192xf32>
      %log3A = math.log %add3A_23 : vector<8192xf32>
      %mul3A_24 = arith.mulf %mul3A_20, %log3A : vector<8192xf32>
      %reduce_sum3A = vector.shape_cast %mul3A_24 : vector<8192xf32> to vector<1x8192xf32>
      %reduce_sum3A_25 = arith.constant dense<0.000000e+00> : vector<1xf32>
      %reduce_sum3A_26 = vector.multi_reduction <add>, %reduce_sum3A, %reduce_sum3A_25 [1] : vector<1x8192xf32> to vector<1xf32>
      %reduce_sum3A_27 = vector.shape_cast %reduce_sum3A_26 : vector<1xf32> to vector<1x1xf32>
      %reduce_sum3A_28 = vector.extract %reduce_sum3A_27[0, 0] : f32 from vector<1x1xf32>
      %neg3A = arith.constant 0.000000e+00 : f32
      %neg3A_29 = arith.subf %neg3A, %reduce_sum3A_28 : f32
      %exp3A = math.exp %neg3A_29 : f32
      %swap3A_30 = arith.constant 0 : index
      %swap3A_31 = arith.constant 0 : index
      %swap3A_32 = memref.load %arg6[%swap3A_30, %swap3A_31] : memref<1x1xf32, #tpu.memory_space<smem>>
      memref.store %exp3A, %arg6[%swap3A_30, %swap3A_31] : memref<1x1xf32, #tpu.memory_space<smem>>
      %get3A_33 = arith.constant 0 : index
      %get3A_34 = arith.constant 0 : index
      %get3A_35 = memref.load %arg3[%get3A_33, %get3A_34] : memref<1x1xf32, #tpu.memory_space<smem>>
      %mul3A_36 = arith.constant 2.38418579E-7 : f32
      %mul3A_37 = arith.mulf %get3A_35, %mul3A_36 : f32
      %swap3A_38 = arith.constant 0 : index
      %swap3A_39 = arith.constant 0 : index
      %swap3A_40 = memref.load %arg5[%swap3A_38, %swap3A_39] : memref<1x1xf32, #tpu.memory_space<smem>>
      memref.store %mul3A_37, %arg5[%swap3A_38, %swap3A_39] : memref<1x1xf32, #tpu.memory_space<smem>>
    } else {
    }
    return
  }
  func.func @transform_0(%arg0: i32) -> (i32, i32, i32) {
    %c0_i32 = arith.constant 0 : i32
    %c0_i32_0 = arith.constant 0 : i32
    %c0_i32_1 = arith.constant 0 : i32
    return %arg0, %c0_i32, %c0_i32_0 : i32, i32, i32
  }
  func.func @transform_1(%arg0: i32) -> (i32, i32) {
    %c0_i32 = arith.constant 0 : i32
    %c0_i32_0 = arith.constant 0 : i32
    %c0_i32_1 = arith.constant 0 : i32
    return %c0_i32, %c0_i32_0 : i32, i32
  }
  func.func @transform_2(%arg0: i32) -> (i32, i32) {
    %c0_i32 = arith.constant 0 : i32
    %c0_i32_0 = arith.constant 0 : i32
    %c0_i32_1 = arith.constant 0 : i32
    return %c0_i32, %c0_i32_0 : i32, i32
  }
  func.func @transform_3(%arg0: i32) -> (i32, i32, i32) {
    %c0_i32 = arith.constant 0 : i32
    %c0_i32_0 = arith.constant 0 : i32
    %c0_i32_1 = arith.constant 0 : i32
    return %arg0, %c0_i32, %c0_i32_0 : i32, i32, i32
  }
  func.func @transform_4(%arg0: i32) -> (i32, i32) {
    %c0_i32 = arith.constant 0 : i32
    %c0_i32_0 = arith.constant 0 : i32
    %c0_i32_1 = arith.constant 0 : i32
    return %c0_i32, %c0_i32_0 : i32, i32
  }
  func.func @transform_5(%arg0: i32) -> (i32, i32) {
    %c0_i32 = arith.constant 0 : i32
    %c0_i32_0 = arith.constant 0 : i32
    %c0_i32_1 = arith.constant 0 : i32
    return %c0_i32, %c0_i32_0 : i32, i32
  }
}

module attributes {stable_mosaic.version = 14 : i64} {
  func.func @_argmin_body(%arg0: i32, %arg1: i32, %arg2: memref<1x256x512xf32, #tpu.memory_space<vmem>>, %arg3: memref<1024x256xf32, #tpu.memory_space<vmem>>, %arg4: memref<1x1x512xi32, #tpu.memory_space<vmem>>, %arg5: memref<1x1xf32, #tpu.memory_space<smem>>, %arg6: memref<1x512xf32, #tpu.memory_space<vmem>>, %arg7: memref<1x512xi32, #tpu.memory_space<vmem>>) attributes {dimension_semantics = [#tpu.dimension_semantics<arbitrary>, #tpu.dimension_semantics<arbitrary>], iteration_bounds = array<i64: 32, 8>, scalar_prefetch = 0 : i64, scratch_operands = 2 : i64, tpu.core_type = #tpu.core_type<tc>, window_params = [{transform_indices = @transform_0, window_bounds = array<i64: 1, 256, 512>}, {transform_indices = @transform_1, window_bounds = array<i64: 1024, 256>}, {transform_indices = @transform_2, window_bounds = array<i64: 1, 1, 512>}, {transform_indices = @transform_3, window_bounds = array<i64: 1, 1>}]} {
    %get3A = arith.constant 0 : index
    %get3A_0 = arith.constant 0 : index
    %get3A_1 = arith.constant 0 : index
    %get3A_2 = vector.load %arg2[%get3A, %get3A_0, %get3A_1] : memref<1x256x512xf32, #tpu.memory_space<vmem>>, vector<1x256x512xf32>
    %get3A_3 = vector.shape_cast %get3A_2 : vector<1x256x512xf32> to vector<256x512xf32>
    %get3A_4 = arith.constant 0 : index
    %get3A_5 = arith.constant 0 : index
    %get3A_6 = vector.load %arg3[%get3A_4, %get3A_5] : memref<1024x256xf32, #tpu.memory_space<vmem>>, vector<1024x256xf32>
    %mul3A = arith.mulf %get3A_6, %get3A_6 : vector<1024x256xf32>
    %reduce_sum3A = arith.constant dense<0.000000e+00> : vector<1024xf32>
    %reduce_sum3A_7 = vector.multi_reduction <add>, %mul3A, %reduce_sum3A [1] : vector<1024x256xf32> to vector<1024xf32>
    %broadcast_in_dim3A = vector.shape_cast %reduce_sum3A_7 : vector<1024xf32> to vector<1024x1xf32>
    %dot_general3A = arith.constant dense<0.000000e+00> : vector<1024x512xf32>
    %dot_general3A_8 = tpu.matmul %get3A_6, %get3A_3, %dot_general3A {dimension_numbers = #tpu.dot_dimension_numbers<[1], [0], [0], [1], [0, 0, 1, 1], [], []>, transpose_lhs_hint = false} : vector<1024x256xf32>, vector<256x512xf32>, vector<1024x512xf32> -> vector<1024x512xf32>
    %mul3A_9 = arith.constant 2.000000e+00 : f32
    %mul3A_10 = vector.broadcast %mul3A_9 : f32 to vector<1024x512xf32>
    %mul3A_11 = arith.mulf %mul3A_10, %dot_general3A_8 : vector<1024x512xf32>
    %sub3A = vector.broadcast %broadcast_in_dim3A : vector<1024x1xf32> to vector<1024x512xf32>
    %sub3A_12 = arith.subf %sub3A, %mul3A_11 : vector<1024x512xf32>
    %reduce_min3A = arith.constant dense<0x7F800000> : vector<512xf32>
    %reduce_min3A_13 = vector.multi_reduction <minimumf>, %sub3A_12, %reduce_min3A [0] : vector<1024x512xf32> to vector<512xf32>
    %broadcast_in_dim3A_14 = vector.shape_cast %reduce_min3A_13 : vector<512xf32> to vector<1x512xf32>
    %iota3A = tpu.iota {dimensions = array<i32: 0>} : vector<1024x512xi32>
    %mul3A_15 = arith.constant 1024 : i32
    %mul3A_16 = arith.muli %arg1, %mul3A_15 : i32
    %add3A = vector.broadcast %mul3A_16 : i32 to vector<1024x512xi32>
    %add3A_17 = arith.addi %iota3A, %add3A : vector<1024x512xi32>
    %eq3A = vector.broadcast %broadcast_in_dim3A_14 : vector<1x512xf32> to vector<1024x512xf32>
    %eq3A_18 = arith.cmpf oeq, %sub3A_12, %eq3A : vector<1024x512xf32>
    %jit3A = arith.constant 1073741824 : i32
    %broadcast_in_dim3A_19 = vector.broadcast %jit3A : i32 to vector<1024x512xi32>
    %select_n3A = arith.select %eq3A_18, %add3A_17, %broadcast_in_dim3A_19 : vector<1024x512xi1>, vector<1024x512xi32>
    %reduce_min3A_20 = arith.constant dense<2147483647> : vector<512xi32>
    %reduce_min3A_21 = vector.multi_reduction <minsi>, %select_n3A, %reduce_min3A_20 [0] : vector<1024x512xi32> to vector<512xi32>
    %broadcast_in_dim3A_22 = vector.shape_cast %reduce_min3A_21 : vector<512xi32> to vector<1x512xi32>
    %eq3A_23 = arith.constant 0 : i32
    %eq3A_24 = arith.cmpi eq, %arg1, %eq3A_23 : i32
    %convert_element_type3A = arith.extui %eq3A_24 : i1 to i32
    %cond3A = arith.constant 0 : i32
    %cond3A_25 = arith.cmpi ne, %convert_element_type3A, %cond3A : i32
    scf.if %cond3A_25 {
      %swap3A = arith.constant 0 : index
      %swap3A_35 = arith.constant 0 : index
      %swap3A_36 = vector.load %arg6[%swap3A, %swap3A_35] : memref<1x512xf32, #tpu.memory_space<vmem>>, vector<1x512xf32>
      tpu.vector_store %arg6[%swap3A, %swap3A_35], %broadcast_in_dim3A_14 {strides = array<i32>} : memref<1x512xf32, #tpu.memory_space<vmem>>, vector<1x512xf32>,
      %swap3A_37 = arith.constant 0 : index
      %swap3A_38 = arith.constant 0 : index
      %swap3A_39 = vector.load %arg7[%swap3A_37, %swap3A_38] : memref<1x512xi32, #tpu.memory_space<vmem>>, vector<1x512xi32>
      tpu.vector_store %arg7[%swap3A_37, %swap3A_38], %broadcast_in_dim3A_22 {strides = array<i32>} : memref<1x512xi32, #tpu.memory_space<vmem>>, vector<1x512xi32>,
    } else {
    }
    %gt3A = arith.constant 0 : i32
    %gt3A_26 = arith.cmpi sgt, %arg1, %gt3A : i32
    %convert_element_type3A_27 = arith.extui %gt3A_26 : i1 to i32
    %cond3A_28 = arith.constant 0 : i32
    %cond3A_29 = arith.cmpi ne, %convert_element_type3A_27, %cond3A_28 : i32
    scf.if %cond3A_29 {
      %get3A_35 = arith.constant 0 : index
      %get3A_36 = arith.constant 0 : index
      %get3A_37 = vector.load %arg6[%get3A_35, %get3A_36] : memref<1x512xf32, #tpu.memory_space<vmem>>, vector<1x512xf32>
      %lt3A = arith.cmpf olt, %broadcast_in_dim3A_14, %get3A_37 : vector<1x512xf32>
      %get3A_38 = arith.constant 0 : index
      %get3A_39 = arith.constant 0 : index
      %get3A_40 = vector.load %arg6[%get3A_38, %get3A_39] : memref<1x512xf32, #tpu.memory_space<vmem>>, vector<1x512xf32>
      %select_n3A_41 = arith.select %lt3A, %broadcast_in_dim3A_14, %get3A_40 : vector<1x512xi1>, vector<1x512xf32>
      %swap3A = arith.constant 0 : index
      %swap3A_42 = arith.constant 0 : index
      %swap3A_43 = vector.load %arg6[%swap3A, %swap3A_42] : memref<1x512xf32, #tpu.memory_space<vmem>>, vector<1x512xf32>
      tpu.vector_store %arg6[%swap3A, %swap3A_42], %select_n3A_41 {strides = array<i32>} : memref<1x512xf32, #tpu.memory_space<vmem>>, vector<1x512xf32>,
      %get3A_44 = arith.constant 0 : index
      %get3A_45 = arith.constant 0 : index
      %get3A_46 = vector.load %arg7[%get3A_44, %get3A_45] : memref<1x512xi32, #tpu.memory_space<vmem>>, vector<1x512xi32>
      %select_n3A_47 = arith.select %lt3A, %broadcast_in_dim3A_22, %get3A_46 : vector<1x512xi1>, vector<1x512xi32>
      %swap3A_48 = arith.constant 0 : index
      %swap3A_49 = arith.constant 0 : index
      %swap3A_50 = vector.load %arg7[%swap3A_48, %swap3A_49] : memref<1x512xi32, #tpu.memory_space<vmem>>, vector<1x512xi32>
      tpu.vector_store %arg7[%swap3A_48, %swap3A_49], %select_n3A_47 {strides = array<i32>} : memref<1x512xi32, #tpu.memory_space<vmem>>, vector<1x512xi32>,
    } else {
    }
    %eq3A_30 = arith.constant 7 : i32
    %eq3A_31 = arith.cmpi eq, %arg1, %eq3A_30 : i32
    %convert_element_type3A_32 = arith.extui %eq3A_31 : i1 to i32
    %cond3A_33 = arith.constant 0 : i32
    %cond3A_34 = arith.cmpi ne, %convert_element_type3A_32, %cond3A_33 : i32
    scf.if %cond3A_34 {
      %get3A_35 = arith.constant 0 : index
      %get3A_36 = arith.constant 0 : index
      %get3A_37 = vector.load %arg7[%get3A_35, %get3A_36] : memref<1x512xi32, #tpu.memory_space<vmem>>, vector<1x512xi32>
      %get3A_38 = vector.shape_cast %get3A_37 : vector<1x512xi32> to vector<512xi32>
      %swap3A = arith.constant 0 : index
      %swap3A_39 = arith.constant 0 : index
      %swap3A_40 = arith.constant 0 : index
      %swap3A_41 = vector.load %arg4[%swap3A, %swap3A_39, %swap3A_40] : memref<1x1x512xi32, #tpu.memory_space<vmem>>, vector<1x1x512xi32>
      %swap3A_42 = vector.shape_cast %swap3A_41 : vector<1x1x512xi32> to vector<512xi32>
      %swap3A_43 = vector.shape_cast %get3A_38 : vector<512xi32> to vector<1x1x512xi32>
      tpu.vector_store %arg4[%swap3A, %swap3A_39, %swap3A_40], %swap3A_43 {strides = array<i32>} : memref<1x1x512xi32, #tpu.memory_space<vmem>>, vector<1x1x512xi32>,
      %get3A_44 = arith.constant 0 : index
      %get3A_45 = arith.constant 0 : index
      %get3A_46 = vector.load %arg6[%get3A_44, %get3A_45] : memref<1x512xf32, #tpu.memory_space<vmem>>, vector<1x512xf32>
      %reduce_sum3A_47 = vector.shape_cast %get3A_46 : vector<1x512xf32> to vector<1x1x512xf32>
      %reduce_sum3A_48 = arith.constant dense<0.000000e+00> : vector<1xf32>
      %reduce_sum3A_49 = vector.multi_reduction <add>, %reduce_sum3A_47, %reduce_sum3A_48 [1, 2] : vector<1x1x512xf32> to vector<1xf32>
      %reduce_sum3A_50 = vector.shape_cast %reduce_sum3A_49 : vector<1xf32> to vector<1x1x1xf32>
      %reduce_sum3A_51 = vector.extract %reduce_sum3A_50[0, 0, 0] : f32 from vector<1x1x1xf32>
      %mul3A_52 = arith.mulf %get3A_3, %get3A_3 : vector<256x512xf32>
      %reduce_sum3A_53 = vector.shape_cast %mul3A_52 : vector<256x512xf32> to vector<1x256x512xf32>
      %reduce_sum3A_54 = arith.constant dense<0.000000e+00> : vector<1xf32>
      %reduce_sum3A_55 = vector.multi_reduction <add>, %reduce_sum3A_53, %reduce_sum3A_54 [1, 2] : vector<1x256x512xf32> to vector<1xf32>
      %reduce_sum3A_56 = vector.shape_cast %reduce_sum3A_55 : vector<1xf32> to vector<1x1x1xf32>
      %reduce_sum3A_57 = vector.extract %reduce_sum3A_56[0, 0, 0] : f32 from vector<1x1x1xf32>
      %add3A_58 = arith.addf %reduce_sum3A_51, %reduce_sum3A_57 : f32
      %eq3A_59 = arith.constant 0 : i32
      %eq3A_60 = arith.cmpi eq, %arg0, %eq3A_59 : i32
      %convert_element_type3A_61 = arith.extui %eq3A_60 : i1 to i32
      %cond3A_62 = arith.constant 0 : i32
      %cond3A_63 = arith.cmpi ne, %convert_element_type3A_61, %cond3A_62 : i32
      scf.if %cond3A_63 {
        %swap3A_71 = arith.constant 0.000000e+00 : f32
        %swap3A_72 = arith.constant 0 : index
        %swap3A_73 = arith.constant 0 : index
        %swap3A_74 = memref.load %arg5[%swap3A_72, %swap3A_73] : memref<1x1xf32, #tpu.memory_space<smem>>
        memref.store %swap3A_71, %arg5[%swap3A_72, %swap3A_73] : memref<1x1xf32, #tpu.memory_space<smem>>
      } else {
      }
      %get3A_64 = arith.constant 0 : index
      %get3A_65 = arith.constant 0 : index
      %get3A_66 = memref.load %arg5[%get3A_64, %get3A_65] : memref<1x1xf32, #tpu.memory_space<smem>>
      %add3A_67 = arith.addf %get3A_66, %add3A_58 : f32
      %swap3A_68 = arith.constant 0 : index
      %swap3A_69 = arith.constant 0 : index
      %swap3A_70 = memref.load %arg5[%swap3A_68, %swap3A_69] : memref<1x1xf32, #tpu.memory_space<smem>>
      memref.store %add3A_67, %arg5[%swap3A_68, %swap3A_69] : memref<1x1xf32, #tpu.memory_space<smem>>
    } else {
    }
    return
  }
  func.func @transform_0(%arg0: i32, %arg1: i32) -> (i32, i32, i32) {
    %jit3A = arith.constant 2 : i32
    %div3A = arith.divsi %arg0, %jit3A : i32
    %sign3A = arith.constant 0 : i32
    %sign3A_0 = arith.cmpi sgt, %arg0, %sign3A : i32
    %sign3A_1 = arith.extui %sign3A_0 : i1 to i32
    %sign3A_2 = arith.constant 0 : i32
    %sign3A_3 = arith.cmpi slt, %arg0, %sign3A_2 : i32
    %sign3A_4 = arith.extui %sign3A_3 : i1 to i32
    %sign3A_5 = arith.subi %sign3A_1, %sign3A_4 : i32
    %sign3A_6 = arith.constant 0 : i32
    %sign3A_7 = arith.cmpi sgt, %jit3A, %sign3A_6 : i32
    %sign3A_8 = arith.extui %sign3A_7 : i1 to i32
    %sign3A_9 = arith.constant 0 : i32
    %sign3A_10 = arith.cmpi slt, %jit3A, %sign3A_9 : i32
    %sign3A_11 = arith.extui %sign3A_10 : i1 to i32
    %sign3A_12 = arith.subi %sign3A_8, %sign3A_11 : i32
    %ne3A = arith.cmpi ne, %sign3A_5, %sign3A_12 : i32
    %rem3A = arith.remsi %arg0, %jit3A : i32
    %ne3A_13 = arith.constant 0 : i32
    %ne3A_14 = arith.cmpi ne, %rem3A, %ne3A_13 : i32
    %and3A = arith.andi %ne3A, %ne3A_14 : i1
    %sub3A = arith.constant 1 : i32
    %sub3A_15 = arith.subi %div3A, %sub3A : i32
    %select_n3A = arith.select %and3A, %sub3A_15, %div3A : i32
    %jit3A_16 = arith.constant 2 : i32
    %eq3A = arith.constant 0 : i32
    %eq3A_17 = arith.cmpi eq, %jit3A_16, %eq3A : i32
    %jit3A_18 = arith.constant 1 : i32
    %select_n3A_19 = arith.select %eq3A_17, %jit3A_18, %jit3A_16 : i32
    %rem3A_20 = arith.remsi %arg0, %select_n3A_19 : i32
    %ne3A_21 = arith.constant 0 : i32
    %ne3A_22 = arith.cmpi ne, %rem3A_20, %ne3A_21 : i32
    %lt3A = arith.constant 0 : i32
    %lt3A_23 = arith.cmpi slt, %rem3A_20, %lt3A : i32
    %lt3A_24 = arith.constant 0 : i32
    %lt3A_25 = arith.cmpi slt, %select_n3A_19, %lt3A_24 : i32
    %ne3A_26 = arith.xori %lt3A_23, %lt3A_25 : i1
    %and3A_27 = arith.andi %ne3A_26, %ne3A_22 : i1
    %add3A = arith.addi %rem3A_20, %select_n3A_19 : i32
    %select_n3A_28 = arith.select %and3A_27, %add3A, %rem3A_20 : i32
    %c0_i32 = arith.constant 0 : i32
    %c0_i32_29 = arith.constant 0 : i32
    return %select_n3A, %c0_i32, %select_n3A_28 : i32, i32, i32
  }
  func.func @transform_1(%arg0: i32, %arg1: i32) -> (i32, i32) {
    %c0_i32 = arith.constant 0 : i32
    %c0_i32_0 = arith.constant 0 : i32
    return %arg1, %c0_i32 : i32, i32
  }
  func.func @transform_2(%arg0: i32, %arg1: i32) -> (i32, i32, i32) {
    %c0_i32 = arith.constant 0 : i32
    %c0_i32_0 = arith.constant 0 : i32
    %c0_i32_1 = arith.constant 0 : i32
    return %arg0, %c0_i32, %c0_i32_0 : i32, i32, i32
  }
  func.func @transform_3(%arg0: i32, %arg1: i32) -> (i32, i32) {
    %c0_i32 = arith.constant 0 : i32
    %c0_i32_0 = arith.constant 0 : i32
    %c0_i32_1 = arith.constant 0 : i32
    return %c0_i32, %c0_i32_0 : i32, i32
  }
}

</mosaic_0001>

<sc_bundles>
// kernel: kernel.5.cloned.1.call-start
scs
__scs_entry_jumppad:
0x0: {  	(pc) =	sbr.rel $0x88, $3  }
0x1: {  	(tag) =	ssettag $0x0;
	lr =	simm.s32 $0x1  }
0x2: {  	[smem:$0x3F9F] =	sst lr;
	_ =	strace $0xD0000000  }
0x3: {  	_ = 	snop  }
0x4: {  	_ = 	snop  }
0x5: {  	_ = 	snop  }
0x6: {  	_ = 	snop  }
0x7: {  	_ = 	snop  }
__scs_overlays_trampoline_lowered:
0x8: {  	[smem:$0x3FAE] =	sst s0  }
0x9: {  	[smem:$0x3FAF] =	sst s1  }
0xa: {  	[smem:$0x3FB0] =	sst s2  }
0xb: {  	[smem:$0x3FB1] =	sst s3  }
0xc: {  	[smem:$0x3FB2] =	sst s4  }
0xd: {  	[smem:$0x3FB3] =	sst s5  }
0xe: {  	[smem:$0x3FB4] =	sst s6  }
0xf: {  	[smem:$0x3FB5] =	sst s7  }
0x10: {  	[smem:$0x3FB6] =	sst s8  }
0x11: {  	[smem:$0x3FB7] =	sst s9;
	s0 =	simm.s32 @!p0 $0x0  }
0x12: {  	s1 =	sld [smem:$0x3F9D];
	s0 =	simm.s32 @p0 $0x1  }
0x13: {  	[smem:$0x3FB8] =	sst s0;
	s0 =	simm.s32 @!p1 $0x0  }
0x14: {  	s2 =	sld [smem:$0x3F9C];
	s0 =	simm.s32 @p1 $0x1  }
0x15: {  	[smem:$0x3FB9] =	sst s0;
	s0 =	simm.s32 @!p2 $0x0  }
0x16: {  	s3 =	sld [smem:$0x3FDB];
	s0 =	simm.s32 @p2 $0x1  }
0x17: {  	s4 =	simm.s32 $0x1BF5;
	[smem:$0x3FBB] =	sst s0  }
0x18: {  	s0 =	sld [smem:$0x3F9E];
	_ =	swait.ge [sflag:s4], $0x0  }
0x19: {  	s7 =	sld [smem:$0x3F9F]  }
0x1a: {  	s8 =	sadd.s32 $0xFFFFE003, lr  }
0x1b: {  	s9 =	sadd.s32 $0xFFFFFEF7, lr;
	s5 =	simm.s32 $0xFFFFFFFF;
	p2 =	slt.u32 s8, $0xFFFFF086  }
0x1c: {  	p1 =	slt.u32 s9, $0xF7A;
	s5 =	simm.s32 @!p2 $0x0  }
0x1d: {  	s5 =	simm.s32 @p1 $0x1;
	p0 =	seq.s32 s7, s2  }
0x1e: {  	s7 =	smul.u32 @!p0 $0xF7A, s2;
	p2 =	seq.s32 @!p0 s5, $0x0  }
0x1f: {  	s9 =	smul.u32 $0xF7A, s1;
	s8 =	simm.s32 @!p0 $0x1BF5;
	p2 =	por !p2, p0  }
0x20: {  	[sflag:s8] =	ssyncset.s32 @!p0 $0xFFFFF086;
	s6 =	sadd.s32 @!p0 s3, s7;
	s7 =	simm.s32 @!p0 $0x108  }
0x21: {  	s3 =	sadd.s32 s3, s9;
	s6 =	sadd.s32 @!p0 $0x88, s6;
	s7 =	simm.s32 @p2 $0x1082  }
0x22: {  	[simem:s7], [sflag:s8] =	dma.local @!p0 [hbm:s6], $0xF7A  }
0x23: {  	s9 =	sor.u32 $0xD0000000, s2;
	s6 =	simm.s32 $0x108;
	_ =	swait.ge @!p0 [sflag:s8], $0x0  }
0x24: {  	s3 =	sadd.s32 $0x88, s3;
	s6 =	simm.s32 @!p1 $0x1082;
	[sflag:s4] =	ssyncset.s32 $0xFFFFF086  }
0x25: {  	[simem:s6], [sflag:s4] =	dma.local [hbm:s3], $0xF7A  }
0x26: {  	[smem:$0x3F9F] =	sst s1;
	(tag) =	ssettag s2;
	_ =	strace s9  }
0x27: {  	s1 =	sld [smem:$0x3FAF]  }
0x28: {  	s2 =	sld [smem:$0x3FB0]  }
0x29: {  	s4 =	sld [smem:$0x3FB2]  }
0x2a: {  	p0 =	seq.s32 s5, $0x0;
	s5 =	sld [smem:$0x3FB3]  }
0x2b: {  	s6 =	sld [smem:$0x3FB4]  }
0x2c: {  	s7 =	sld [smem:$0x3FB5]  }
0x2d: {  	s3 =	simm.s32 $0x108;
	s8 =	sld [smem:$0x3FB6]  }
0x2e: {  	s3 =	simm.s32 @!p0 $0x1082;
	s9 =	sld [smem:$0x3FB7]  }
0x2f: {  	lr =	sadd.s32 s0, s3;
	s0 =	sld [smem:$0x3FAE]  }
0x30: {  	s3 =	sld [smem:$0x3FB1]  }
0x31: {  	[smem:$0x3FBA] =	sst s10  }
0x32: {  	s10 =	sld [smem:$0x3FB8];
	_ =	sdelay $0x3  }
0x33: {  	p0 =	seq.s32 s10, $0x1;
	s10 =	sld [smem:$0x3FBA];
	_ =	sdelay $0x3  }
0x34: {  	[smem:$0x3FBA] =	sst s10  }
0x35: {  	s10 =	sld [smem:$0x3FB9];
	_ =	sdelay $0x3  }
0x36: {  	p1 =	seq.s32 s10, $0x1;
	s10 =	sld [smem:$0x3FBA];
	_ =	sdelay $0x3  }
0x37: {  	[smem:$0x3FBA] =	sst s10  }
0x38: {  	s10 =	sld [smem:$0x3FBB]  }
0x39: {  	_ = 	snop;
	(pc) =	sbr.ind lr, $3  }
0x3a: {  	_ = 	snop  }
0x3b: {  	_ = 	snop  }
0x3c: {  	p2 =	seq.s32 s10, $0x1;
	s10 =	sld [smem:$0x3FBA]  }
0x3d: {  	_ =	shalt  }
0x3e: {  	_ =	shalt  }
0x3f: {  	_ =	shalt  }
0x40: {  	_ =	shalt  }
0x41: {  	_ =	shalt  }
0x42: {  	_ =	shalt  }
0x43: {  	_ =	shalt  }
0x44: {  	_ =	shalt  }
0x45: {  	_ =	shalt  }
0x46: {  	_ =	shalt  }
0x47: {  	_ =	shalt  }
0x48: {  	_ =	shalt  }
0x49: {  	_ =	shalt  }
0x4a: {  	_ =	shalt  }
0x4b: {  	_ =	shalt  }
0x4c: {  	_ =	shalt  }
0x4d: {  	_ =	shalt  }
0x4e: {  	_ =	shalt  }
0x4f: {  	_ =	shalt  }
0x50: {  	_ =	shalt  }
0x51: {  	_ =	shalt  }
0x52: {  	_ =	shalt  }
0x53: {  	_ =	shalt  }
0x54: {  	_ =	shalt  }
0x55: {  	_ =	shalt  }
0x56: {  	_ =	shalt  }
0x57: {  	_ =	shalt  }
0x58: {  	_ =	shalt  }
0x59: {  	_ =	shalt  }
0x5a: {  	_ =	shalt  }
0x5b: {  	_ =	shalt  }
0x5c: {  	_ =	shalt  }
0x5d: {  	_ =	shalt  }
0x5e: {  	_ =	shalt  }
0x5f: {  	_ =	shalt  }
0x60: {  	_ =	shalt  }
0x61: {  	_ =	shalt  }
0x62: {  	_ =	shalt  }
0x63: {  	_ =	shalt  }
0x64: {  	_ =	shalt  }
0x65: {  	_ =	shalt  }
0x66: {  	_ =	shalt  }
0x67: {  	_ =	shalt  }
0x68: {  	_ =	shalt  }
0x69: {  	_ =	shalt  }
0x6a: {  	_ =	shalt  }
0x6b: {  	_ =	shalt  }
0x6c: {  	_ =	shalt  }
0x6d: {  	_ =	shalt  }
0x6e: {  	_ =	shalt  }
0x6f: {  	_ =	shalt  }
0x70: {  	_ =	shalt  }
0x71: {  	_ =	shalt  }
0x72: {  	_ =	shalt  }
0x73: {  	_ =	shalt  }
0x74: {  	_ =	shalt  }
0x75: {  	_ =	shalt  }
0x76: {  	_ =	shalt  }
0x77: {  	_ =	shalt  }
0x78: {  	_ =	shalt  }
0x79: {  	_ =	shalt  }
0x7a: {  	_ =	shalt  }
0x7b: {  	_ =	shalt  }
0x7c: {  	_ =	shalt  }
0x7d: {  	_ =	shalt  }
0x7e: {  	_ =	shalt  }
0x7f: {  	_ =	shalt  }
0x80: {  	_ =	shalt  }
0x81: {  	_ =	shalt  }
0x82: {  	_ =	shalt  }
0x83: {  	_ =	shalt  }
0x84: {  	_ =	shalt  }
0x85: {  	_ =	shalt  }
0x86: {  	_ =	shalt  }
0x87: {  	_ =	shalt  }
.Lfunc_end0:
.L_simem_size_0:
called_computation_lowered:
.L_overlay_start_0:
0x88: {  	s2 =	sld [smem:$0x3FD9]  }
0x89: {  	s3 =	sld [smem:$0x3FFE];
	_ =	sdelay $0x1  }
0x8a: {  	s1 =	srdreg.scid  }
0x8b: {  	s0 =	sand.u32 $0x1, s1  }
0x8c: {  	s14 =	sshll.u32 s0, $0xA;
	s2 =	sadd.s32 s3, s2  }
0x8d: {  	s2 =	sadd.s32 s2, s14  }
0x8e: {  	[smem:$0x3FC6] =	sst s2  }
0x8f: {  	_ = 	snop  }
0x90: {  	s2 =	sld [smem:$0x3FD0];
	_ =	sdelay $0x2  }
0x91: {  	s4 =	simm.s32 $0xA;
	s5 =	simm.s32 $0x10;
	s15 =	sld [smem:$0x3FC8]  }
0x92: {  	[smem:s5], [sflag:s4] =	dma.local [hbm:s2], $0x1  }
0x93: {  	_ =	swait.eq [sflag:s4], $0x1  }
0x94: {  	[sflag:s4] =	ssyncset.done $0x0  }
0x95: {  	[sflag:s4] =	ssyncadd.s32 $0xFFFFFFFF  }
0x96: {  	s16 =	sld [smem:$0x10];
	(tm) =	ssettm $0x1  }
0x97: {  	s17 =	sld [smem:$0x3FFB];
	_ =	sdelay $0x3  }
0x98: {  	_ =	strace s17  }
0x99: {  	s4 =	sld [smem:$0x3FFC];
	_ =	sdelay $0x3  }
0x9a: {  	_ =	strace s4  }
0x9b: {  	s4 =	sld [smem:$0x3FFD];
	_ =	sdelay $0x3  }
0x9c: {  	_ =	strace s4  }
0x9d: {  	_ =	strace $0x8FFFFFFF  }
0x9e: {  	s18 =	sld [smem:$0x3FDB];
	_ =	sdelay $0x1  }
0x9f: {  	s19 =	simm.s32 $_scs_section_size  }
0xa0: {  	s6 =	simm.s32 $_size__tile_overlayer_lowered;
	s7 =	simm.s32 $_tile_overlayer_lowered  }
0xa1: {  	s22 =	simm.s32 $0x1BFF;
	s21 =	sshll.u32 s7, $0x1;
	s4 =	sadd.s32 s19, s18  }
0xa2: {  	s8 =	simm.s32 $0x0;
	s20 =	sshll.u32 s6, $0x1;
	s6 =	sadd.s32 s21, s4  }
0xa3: {  	[timem:s8], [sflag:s22] =	dma.local [hbm:s6], s20  }
0xa4: {  	_ =	swait.ge [sflag:s22], s20  }
0xa5: {  	s5 =	ssub.s32 $0x0, s20;
	[sflag:s22] =	ssyncset.done $0x0  }
0xa6: {  	[sflag:s22] =	ssyncadd.s32 s5;
	_ =	sdelay $0x1  }
0xa7: {  	s23 =	simm.s32 $0x1B8B  }
0xa8: {  	_ =	swait.ge [sflag:s23], $0x1  }
0xa9: {  	[sflag:s23] =	ssyncset.done $0x0  }
0xaa: {  	s25 =	simm.s32 $0x1B8E;
	s24 =	sld [smem:$0x3FFE];
	[sflag:s23] =	ssyncadd.s32 $0xFFFFFFFF  }
0xab: {  	s26 =	simm.s32 $execute0_lowered;
	[smem:$0x3FD2] =	sst s25  }
0xac: {  	s6 =	sshll.u32 s26, $0x1;
	_ =	strace $0x80000046;
	[dreg:$0x1] =	wrdreg $0xFFFFFFFF  }
0xad: {  	s28 =	simm.s32 $_size_execute0_lowered;
	s4 =	sadd.s32 s4, s6;
	[dreg:$0x0] =	wrdreg $0x0  }
0xae: {  	s6 =	sshll.u32 s28, $0x1;
	[dreg:$0x2] =	wrdreg s4  }
0xaf: {  	[dreg:$0x3] =	wrdreg s6  }
0xb0: {  	[dreg:$0x4] =	wrdreg $0xC0  }
0xb1: {  	_ =	task [dreg:s8], $0x5FFFF  }
0xb2: {  	[dreg:$0x1] =	wrdreg $0xFFFFFFFF  }
0xb3: {  	[dreg:$0x0] =	wrdreg $0x60  }
0xb4: {  	[dreg:$0x2] =	wrdreg s15  }
0xb5: {  	[dreg:$0x3] =	wrdreg s24  }
0xb6: {  	[dreg:$0x4] =	wrdreg s16  }
0xb7: {  	[dreg:$0x5] =	wrdreg $0x84800  }
0xb8: {  	[dreg:$0x6] =	wrdreg $0x9  }
0xb9: {  	_ =	task.clear_ibuf [dreg:s8], $0x7FFFF;
	_ =	strace $0x90000046  }
0xba: {  	s29 =	simm.s32 $0x9;
	_ =	strace $0x80000048  }
0xbb: {  	_ =	swait.ge [sflag:s29], $0x1  }
0xbc: {  	[sflag:s29] =	ssyncadd.s32 $0xFFFFFFFF  }
0xbd: {  	_ =	strace $0x90000048  }
0xbe: {  	_ =	sfence  }
0xbf: {  	s30 =	sld [smem:$0x0];
	_ =	sdelay $0x2  }
0xc0: {  	s31 =	sshll.u32 s1, $0xD;
	s1 =	sshrl.u32 s1, $0x2  }
0xc1: {  	s3 =	sand.u32 $0x4000, s31;
	s1 =	sadd.s32 s1, s30  }
0xc2: {  	s0 =	sor.u32 s3, s0;
	s1 =	sshll.u32 s1, $0x11  }
0xc3: {  	s0 =	sor.u32 s1, s0  }
0xc4: {  	s0 =	sadd.s32 $0x8F2B, s0  }
0xc5: {  	[sflag:s0] =	ssyncadd.remote.s32 $0x1  }
0xc6: {  	_ =	sfence.sel $0xFFFF  }
0xc7: {  	[dreg:$0x0] =	wrdreg $0xFFFFFFFF;
	(pc) =	sbr.abs _section_cstart, $3  }
0xc8: {  	[dreg:$0x1] =	wrdreg $0xFFFFFFFF  }
0xc9: {  	_ =	task.clear_ibuf [dreg:s8], $0x2FFFF;
	_ =	strace $0x9FFFFFFF  }
0xca: {  	(tm) =	ssettm $0x7FFFFFFF  }
0xcb: {  	_ =	shalt  }
tec
execute0_lowered:
.L_overlay_start_1:
0x0: {  	(tag) =	ssettag $0x1  }
0x1: {  	s1 =	rddreg [dreg:$0x0]  }
0x2: {  	s0 =	rddreg [dreg:$0x1]  }
0x3: {  	s5 =	rddreg [dreg:$0x2]  }
0x4: {  	s2 =	rddreg [dreg:$0x3];
	s3 =	simm.s32 $0x0  }
0x5: {  	s4 =	srdreg.scid;
	s19 =	stileid.u32;
	s11 =	simm.s32 $0x80  }
0x6: {  	s12 =	simm.s32 $0x8200;
	s13 =	simm.s32 $0x100;
	s14 =	simm.s32 $0x180  }
0x7: {  	s15 =	simm.s32 $0x200;
	s16 =	simm.s32 $0xA00;
	s17 =	simm.s32 $0x1200  }
0x8: {  	s18 =	simm.s32 $0x1A00;
	s28 =	simm.s32 $0x6200;
	s29 =	simm.s32 $0x6A00  }
0x9: {  	s30 =	simm.s32 $0x7200;
	s31 =	simm.s32 $0x7A00;
	[smem:$0x7FF] =	sst s3  }
0xa: {  	s6 =	sand.u32 $0x1, s4;
	s20 =	sshll.u32 s19, $0x7;
	s9 =	sshll.u32 s19, $0xF  }
0xb: {  	s24 =	sshll.u32 s19, $0x9;
	s19 =	simm.s32 $0x2200;
	_ =	strace $0x80000047  }
0xc: {  	s4 =	sshll.u32 s6, $0x6;
	s7 =	sshll.u32 s6, $0x4;
	s10 =	sshll.u32 s6, $0xE  }
0xd: {  	s6 =	ssub.s32 $0x2, s6;
	s8 =	sadd.s32 s4, s0;
	s0 =	sadd.s32 s7, s0  }
0xe: {  	s9 =	sor.u32 s10, s9;
	s21 =	sshrl.u32 s6, $0x1;
	s10 =	simm.s32 $0x8280  }
0xf: {  	s8 =	sadd.s32 s20, s8;
	s5 =	sadd.s32 s5, s9;
	s22 =	ssub.s32 s6, s21  }
0x10: {  	s0 =	sadd.s32 s20, s0;
	s6 =	sadd.s32 s24, s2;
	s9 =	simm.s32 $0x2  }
0x11: {  	s20 =	simm.s32 $0x2A00;
	s21 =	simm.s32 $0x3200;
	s8 =	sadd.s32 $0x1600, s8  }
0x12: {  	s24 =	simm.s32 $0x4A00;
	s23 =	sadd.s32 $0x1000, s5;
	[dreg:$0x5] =	wrdreg s8  }
0x13: {  	s25 =	sadd.s32 $0x2000, s5;
	s26 =	sadd.s32 $0x3000, s5;
	[dreg:$0x6] =	wrdreg s23  }
0x14: {  	v0 =	vimm.f32 $0.0e+00;
	v4 =	vlaneseq.u32;
	s7 =	sadd.s32 $0x1E00, s0;
	s0 =	simm.s32 $0x1;
	[dreg:$0x7] =	wrdreg s25  }
0x15: {  	v1 =	vimm.f32 $1.000000000e+00;
	vm0 =	vmmov $0xffff;
	v3 =	vshrl.u32 v4, $0x3;
	[dreg:$0x8] =	wrdreg s26;
	s8 =	smax.u32 s22, $0x1;
	s22 =	simm.s32 $0x3A00  }
0x16: {  	v2 =	vand.u32 $0x7, v4;
	v4 =	vor.u32 $0x8, v4;
	v3 =	vmul.u32 $0x8, v3;
	s23 =	simm.s32 $0x4200;
	s25 =	simm.s32 $0x5200;
	s26 =	simm.s32 $0x5A00  }
.LBB2_1:
0x17: {  	s4 =	rddreg [dreg:$0x5]  }
0x18: {  	[tilespmem:s3], [sflag:$0x2] =	stream.linear.gather [hbm4b:s4+s3], $0x200, $0x38;
	[tilespmem:$0x8680] =	vst v63  }
0x19: {  	_ =	swait.ge [sflag:s9], $0x200  }
0x1a: {  	[sflag:s9] =	ssyncset.done $0x0  }
0x1b: {  	[sflag:s9] =	ssyncadd.s32 $0xFFFFFE00  }
0x1c: {  	[tilespmem:$0x8280] =	vst v0  }
0x1d: {  	[tilespmem:$0x8290] =	vst v0  }
0x1e: {  	[tilespmem:$0x82A0] =	vst v0  }
0x1f: {  	[tilespmem:$0x82B0] =	vst v0  }
0x20: {  	[tilespmem:$0x82C0] =	vst v0  }
0x21: {  	[tilespmem:$0x82D0] =	vst v0  }
0x22: {  	[tilespmem:$0x82E0] =	vst v0  }
0x23: {  	[tilespmem:$0x82F0] =	vst v0  }
0x24: {  	[tilespmem:$0x8300] =	vst v0  }
0x25: {  	[tilespmem:$0x8310] =	vst v0  }
0x26: {  	[tilespmem:$0x8320] =	vst v0  }
0x27: {  	[tilespmem:$0x8330] =	vst v0  }
0x28: {  	[tilespmem:$0x8340] =	vst v0  }
0x29: {  	[tilespmem:$0x8350] =	vst v0  }
0x2a: {  	[tilespmem:$0x8360] =	vst v0  }
0x2b: {  	[tilespmem:$0x8370] =	vst v0  }
0x2c: {  	[tilespmem:$0x8380] =	vst v0  }
0x2d: {  	[tilespmem:$0x8390] =	vst v0  }
0x2e: {  	[tilespmem:$0x83A0] =	vst v0  }
0x2f: {  	[tilespmem:$0x83B0] =	vst v0  }
0x30: {  	[tilespmem:$0x83C0] =	vst v0  }
0x31: {  	[tilespmem:$0x83D0] =	vst v0  }
0x32: {  	[tilespmem:$0x83E0] =	vst v0  }
0x33: {  	[tilespmem:$0x83F0] =	vst v0  }
0x34: {  	[tilespmem:$0x8400] =	vst v0  }
0x35: {  	[tilespmem:$0x8410] =	vst v0  }
0x36: {  	[tilespmem:$0x8420] =	vst v0  }
0x37: {  	[tilespmem:$0x8430] =	vst v0  }
0x38: {  	[tilespmem:$0x8440] =	vst v0  }
0x39: {  	[tilespmem:$0x8450] =	vst v0  }
0x3a: {  	[tilespmem:$0x8460] =	vst v0  }
0x3b: {  	[tilespmem:$0x8470] =	vst v0  }
0x3c: {  	[spmem:s6] =	stream.linear.scatter [tilespmem:s10], [sflag:$0x2], $0x200, $0x38;
	[tilespmem:$0x8680] =	vst v63  }
0x3d: {  	_ =	swait.ge [sflag:s9], $0x200  }
0x3e: {  	[sflag:s9] =	ssyncset.done $0x0  }
0x3f: {  	[sflag:s9] =	ssyncadd.s32 $0xFFFFFE00  }
0x40: {  	[tilespmem:$0x8200] =	vst v1  }
0x41: {  	[tilespmem:$0x8210] =	vst v1  }
0x42: {  	[tilespmem:$0x8220] =	vst v1  }
0x43: {  	[tilespmem:$0x8230] =	vst v1  }
0x44: {  	[tilespmem:$0x8240] =	vst v1  }
0x45: {  	[tilespmem:$0x8250] =	vst v1  }
0x46: {  	[tilespmem:$0x8260] =	vst v1  }
0x47: {  	[tilespmem:$0x8270] =	vst v1  }
0x48: {  	[bflag:$0x0] =	sbarrier.arrive $0xFFFF  }
0x49: {  	[spmem:s2] =	stream.indirect.scatter.add.f32 [tilespmem:s12], [sflag:$0x2], $0x1, s3, s11, $0xb8;
	[tilespmem:$0x8680] =	vst v63  }
0x4a: {  	_ =	swait.ge [sflag:s9], $0x80  }
0x4b: {  	[sflag:s9] =	ssyncset.done $0x0  }
0x4c: {  	[sflag:s9] =	ssyncadd.s32 $0xFFFFFF80  }
0x4d: {  	[spmem:s2] =	stream.indirect.scatter.add.f32 [tilespmem:s12], [sflag:$0x2], $0x1, s11, s11, $0xb8;
	[tilespmem:$0x8680] =	vst v63  }
0x4e: {  	_ =	swait.ge [sflag:s9], $0x80  }
0x4f: {  	[sflag:s9] =	ssyncset.done $0x0  }
0x50: {  	[sflag:s9] =	ssyncadd.s32 $0xFFFFFF80  }
0x51: {  	[spmem:s2] =	stream.indirect.scatter.add.f32 [tilespmem:s12], [sflag:$0x2], $0x1, s13, s11, $0xb8;
	[tilespmem:$0x8680] =	vst v63  }
0x52: {  	_ =	swait.ge [sflag:s9], $0x80  }
0x53: {  	[sflag:s9] =	ssyncset.done $0x0  }
0x54: {  	[sflag:s9] =	ssyncadd.s32 $0xFFFFFF80  }
0x55: {  	[spmem:s2] =	stream.indirect.scatter.add.f32 [tilespmem:s12], [sflag:$0x2], $0x1, s14, s11, $0xb8;
	[tilespmem:$0x8680] =	vst v63  }
0x56: {  	_ =	swait.ge [sflag:s9], $0x80  }
0x57: {  	[sflag:s9] =	ssyncset.done $0x0  }
0x58: {  	[sflag:s9] =	ssyncadd.s32 $0xFFFFFF80  }
0x59: {  	v5 =	vld [tilespmem:$0x0];
	_ =	sdelay $0x4  }
0x5a: {  	v6 =	vshll.u32 v5, $0x1  }
0x5b: {  	v5 =	vand.u32 $0x7, v5;
	v6 =	vand.u32 $0xFFFFFFF0, v6  }
0x5c: {  	v5 =	vor.u32 v5, v6  }
0x5d: {  	v6 =	vperm.xlane v5, v2;
	_ =	sdelay $0x1  }
0x5e: {  	v5 =	vperm.xlane v5, v4;
	v6 =	vadd.s32 v3, v6;
	_ =	sdelay $0x1  }
0x5f: {  	v5 =	vadd.s32 v3, v5;
	_ =	sdelay $0x2  }
0x60: {  	[tilespmem:s15], [sflag:$0x1] =	stream.indirect_vreg.gather [hbm4b:s1+s3], $0x80, v6, vm0, $0xb8;
	[tilespmem:$0x8680] =	vst v63  }
0x61: {  	_ = 	snop  }
0x62: {  	[tilespmem:s16], [sflag:$0x1] =	stream.indirect_vreg.gather [hbm4b:s1+s3], $0x80, v5, vm0, $0xb8;
	[tilespmem:$0x8680] =	vst v63  }
0x63: {  	v5 =	vld [tilespmem:$0x10];
	_ =	sdelay $0x4  }
0x64: {  	v6 =	vshll.u32 v5, $0x1  }
0x65: {  	v5 =	vand.u32 $0x7, v5;
	v6 =	vand.u32 $0xFFFFFFF0, v6  }
0x66: {  	v5 =	vor.u32 v5, v6  }
0x67: {  	v6 =	vperm.xlane v5, v2;
	_ =	sdelay $0x1  }
0x68: {  	v5 =	vperm.xlane v5, v4;
	v6 =	vadd.s32 v3, v6;
	_ =	sdelay $0x1  }
0x69: {  	v5 =	vadd.s32 v3, v5;
	_ =	sdelay $0x2  }
0x6a: {  	[tilespmem:s17], [sflag:$0x1] =	stream.indirect_vreg.gather [hbm4b:s1+s3], $0x80, v6, vm0, $0xb8;
	[tilespmem:$0x8680] =	vst v63  }
0x6b: {  	_ = 	snop  }
0x6c: {  	[tilespmem:s18], [sflag:$0x1] =	stream.indirect_vreg.gather [hbm4b:s1+s3], $0x80, v5, vm0, $0xb8;
	[tilespmem:$0x8680] =	vst v63  }
0x6d: {  	v5 =	vld [tilespmem:$0x20];
	_ =	sdelay $0x4  }
0x6e: {  	v6 =	vshll.u32 v5, $0x1  }
0x6f: {  	v5 =	vand.u32 $0x7, v5;
	v6 =	vand.u32 $0xFFFFFFF0, v6  }
0x70: {  	v5 =	vor.u32 v5, v6  }
0x71: {  	v6 =	vperm.xlane v5, v2;
	_ =	sdelay $0x1  }
0x72: {  	v5 =	vperm.xlane v5, v4;
	v6 =	vadd.s32 v3, v6;
	_ =	sdelay $0x1  }
0x73: {  	v5 =	vadd.s32 v3, v5;
	_ =	sdelay $0x2  }
0x74: {  	[tilespmem:s19], [sflag:$0x1] =	stream.indirect_vreg.gather [hbm4b:s1+s3], $0x80, v6, vm0, $0xb8;
	[tilespmem:$0x8680] =	vst v63  }
0x75: {  	_ = 	snop  }
0x76: {  	[tilespmem:s20], [sflag:$0x1] =	stream.indirect_vreg.gather [hbm4b:s1+s3], $0x80, v5, vm0, $0xb8;
	[tilespmem:$0x8680] =	vst v63  }
0x77: {  	v5 =	vld [tilespmem:$0x30];
	_ =	sdelay $0x4  }
0x78: {  	v6 =	vshll.u32 v5, $0x1  }
0x79: {  	v5 =	vand.u32 $0x7, v5;
	v6 =	vand.u32 $0xFFFFFFF0, v6  }
0x7a: {  	v5 =	vor.u32 v5, v6  }
0x7b: {  	v6 =	vperm.xlane v5, v2;
	_ =	sdelay $0x1  }
0x7c: {  	v5 =	vperm.xlane v5, v4;
	v6 =	vadd.s32 v3, v6;
	_ =	sdelay $0x1  }
0x7d: {  	v5 =	vadd.s32 v3, v5;
	_ =	sdelay $0x2  }
0x7e: {  	[tilespmem:s21], [sflag:$0x1] =	stream.indirect_vreg.gather [hbm4b:s1+s3], $0x80, v6, vm0, $0xb8;
	[tilespmem:$0x8680] =	vst v63  }
0x7f: {  	_ = 	snop  }
0x80: {  	[tilespmem:s22], [sflag:$0x1] =	stream.indirect_vreg.gather [hbm4b:s1+s3], $0x80, v5, vm0, $0xb8;
	[tilespmem:$0x8680] =	vst v63  }
0x81: {  	v5 =	vld [tilespmem:$0x40];
	_ =	sdelay $0x4  }
0x82: {  	v6 =	vshll.u32 v5, $0x1  }
0x83: {  	v5 =	vand.u32 $0x7, v5;
	v6 =	vand.u32 $0xFFFFFFF0, v6  }
0x84: {  	v5 =	vor.u32 v5, v6  }
0x85: {  	v6 =	vperm.xlane v5, v2;
	_ =	sdelay $0x1  }
0x86: {  	v5 =	vperm.xlane v5, v4;
	v6 =	vadd.s32 v3, v6;
	_ =	sdelay $0x1  }
0x87: {  	v5 =	vadd.s32 v3, v5;
	_ =	sdelay $0x2  }
0x88: {  	[tilespmem:s23], [sflag:$0x1] =	stream.indirect_vreg.gather [hbm4b:s1+s3], $0x80, v6, vm0, $0xb8;
	[tilespmem:$0x8680] =	vst v63  }
0x89: {  	_ = 	snop  }
0x8a: {  	[tilespmem:s24], [sflag:$0x1] =	stream.indirect_vreg.gather [hbm4b:s1+s3], $0x80, v5, vm0, $0xb8;
	[tilespmem:$0x8680] =	vst v63  }
0x8b: {  	v5 =	vld [tilespmem:$0x50];
	_ =	sdelay $0x4  }
0x8c: {  	v6 =	vshll.u32 v5, $0x1  }
0x8d: {  	v5 =	vand.u32 $0x7, v5;
	v6 =	vand.u32 $0xFFFFFFF0, v6  }
0x8e: {  	v5 =	vor.u32 v5, v6  }
0x8f: {  	v6 =	vperm.xlane v5, v2;
	_ =	sdelay $0x1  }
0x90: {  	v5 =	vperm.xlane v5, v4;
	v6 =	vadd.s32 v3, v6;
	_ =	sdelay $0x1  }
0x91: {  	v5 =	vadd.s32 v3, v5;
	_ =	sdelay $0x2  }
0x92: {  	[tilespmem:s25], [sflag:$0x1] =	stream.indirect_vreg.gather [hbm4b:s1+s3], $0x80, v6, vm0, $0xb8;
	[tilespmem:$0x8680] =	vst v63  }
0x93: {  	_ = 	snop  }
0x94: {  	[tilespmem:s26], [sflag:$0x1] =	stream.indirect_vreg.gather [hbm4b:s1+s3], $0x80, v5, vm0, $0xb8;
	[tilespmem:$0x8680] =	vst v63  }
0x95: {  	v5 =	vld [tilespmem:$0x60];
	_ =	sdelay $0x4  }
0x96: {  	v6 =	vshll.u32 v5, $0x1  }
0x97: {  	v5 =	vand.u32 $0x7, v5;
	v6 =	vand.u32 $0xFFFFFFF0, v6  }
0x98: {  	v5 =	vor.u32 v5, v6  }
0x99: {  	v6 =	vperm.xlane v5, v2;
	_ =	sdelay $0x1  }
0x9a: {  	v5 =	vperm.xlane v5, v4;
	v6 =	vadd.s32 v3, v6;
	_ =	sdelay $0x1  }
0x9b: {  	v5 =	vadd.s32 v3, v5;
	_ =	sdelay $0x2  }
0x9c: {  	[tilespmem:s28], [sflag:$0x1] =	stream.indirect_vreg.gather [hbm4b:s1+s3], $0x80, v6, vm0, $0xb8;
	[tilespmem:$0x8680] =	vst v63  }
0x9d: {  	_ = 	snop  }
0x9e: {  	[tilespmem:s29], [sflag:$0x1] =	stream.indirect_vreg.gather [hbm4b:s1+s3], $0x80, v5, vm0, $0xb8;
	[tilespmem:$0x8680] =	vst v63  }
0x9f: {  	v5 =	vld [tilespmem:$0x70];
	_ =	sdelay $0x4  }
0xa0: {  	v6 =	vshll.u32 v5, $0x1  }
0xa1: {  	v5 =	vand.u32 $0x7, v5;
	v6 =	vand.u32 $0xFFFFFFF0, v6  }
0xa2: {  	v5 =	vor.u32 v5, v6  }
0xa3: {  	v6 =	vperm.xlane v5, v2;
	_ =	sdelay $0x1  }
0xa4: {  	v5 =	vperm.xlane v5, v4;
	v6 =	vadd.s32 v3, v6;
	_ =	sdelay $0x1  }
0xa5: {  	v5 =	vadd.s32 v3, v5;
	_ =	sdelay $0x2  }
0xa6: {  	[tilespmem:s30], [sflag:$0x1] =	stream.indirect_vreg.gather [hbm4b:s1+s3], $0x80, v6, vm0, $0xb8;
	[tilespmem:$0x8680] =	vst v63  }
0xa7: {  	_ = 	snop  }
0xa8: {  	[tilespmem:s31], [sflag:$0x1] =	stream.indirect_vreg.gather [hbm4b:s1+s3], $0x80, v5, vm0, $0xb8;
	[tilespmem:$0x8680] =	vst v63  }
0xa9: {  	_ =	swait.ge [sflag:s0], $0x8000  }
0xaa: {  	[sflag:s0] =	ssyncset.done $0x0  }
0xab: {  	[sflag:s0] =	ssyncadd.s32 $0xFFFF8000  }
0xac: {  	[hbm4b:s5+s3] =	stream.linear.scatter [tilespmem:s15], [sflag:$0x2], $0x8000, $0x38;
	[tilespmem:$0x8680] =	vst v63  }
0xad: {  	_ =	swait.ge [sflag:s9], $0x8000  }
0xae: {  	[sflag:s9] =	ssyncset.done $0x0  }
0xaf: {  	[sflag:s9] =	ssyncadd.s32 $0xFFFF8000  }
0xb0: {  	v5 =	vld [tilespmem:$0x80];
	_ =	sdelay $0x4  }
0xb1: {  	v6 =	vshll.u32 v5, $0x1  }
0xb2: {  	v5 =	vand.u32 $0x7, v5;
	v6 =	vand.u32 $0xFFFFFFF0, v6  }
0xb3: {  	v5 =	vor.u32 v5, v6  }
0xb4: {  	v6 =	vperm.xlane v5, v2;
	_ =	sdelay $0x1  }
0xb5: {  	v5 =	vperm.xlane v5, v4;
	v6 =	vadd.s32 v3, v6;
	_ =	sdelay $0x1  }
0xb6: {  	v5 =	vadd.s32 v3, v5;
	_ =	sdelay $0x2  }
0xb7: {  	[tilespmem:s15], [sflag:$0x1] =	stream.indirect_vreg.gather [hbm4b:s1+s3], $0x80, v6, vm0, $0xb8;
	[tilespmem:$0x8680] =	vst v63  }
0xb8: {  	_ = 	snop  }
0xb9: {  	[tilespmem:s16], [sflag:$0x1] =	stream.indirect_vreg.gather [hbm4b:s1+s3], $0x80, v5, vm0, $0xb8;
	[tilespmem:$0x8680] =	vst v63  }
0xba: {  	v5 =	vld [tilespmem:$0x90];
	_ =	sdelay $0x4  }
0xbb: {  	v6 =	vshll.u32 v5, $0x1  }
0xbc: {  	v5 =	vand.u32 $0x7, v5;
	v6 =	vand.u32 $0xFFFFFFF0, v6  }
0xbd: {  	v5 =	vor.u32 v5, v6  }
0xbe: {  	v6 =	vperm.xlane v5, v2;
	_ =	sdelay $0x1  }
0xbf: {  	v5 =	vperm.xlane v5, v4;
	v6 =	vadd.s32 v3, v6;
	_ =	sdelay $0x1  }
0xc0: {  	v5 =	vadd.s32 v3, v5;
	_ =	sdelay $0x2  }
0xc1: {  	[tilespmem:s17], [sflag:$0x1] =	stream.indirect_vreg.gather [hbm4b:s1+s3], $0x80, v6, vm0, $0xb8;
	[tilespmem:$0x8680] =	vst v63  }
0xc2: {  	_ = 	snop  }
0xc3: {  	[tilespmem:s18], [sflag:$0x1] =	stream.indirect_vreg.gather [hbm4b:s1+s3], $0x80, v5, vm0, $0xb8;
	[tilespmem:$0x8680] =	vst v63  }
0xc4: {  	v5 =	vld [tilespmem:$0xA0];
	_ =	sdelay $0x4  }
0xc5: {  	v6 =	vshll.u32 v5, $0x1  }
0xc6: {  	v5 =	vand.u32 $0x7, v5;
	v6 =	vand.u32 $0xFFFFFFF0, v6  }
0xc7: {  	v5 =	vor.u32 v5, v6  }
0xc8: {  	v6 =	vperm.xlane v5, v2;
	_ =	sdelay $0x1  }
0xc9: {  	v5 =	vperm.xlane v5, v4;
	v6 =	vadd.s32 v3, v6;
	_ =	sdelay $0x1  }
0xca: {  	v5 =	vadd.s32 v3, v5;
	_ =	sdelay $0x2  }
0xcb: {  	[tilespmem:s19], [sflag:$0x1] =	stream.indirect_vreg.gather [hbm4b:s1+s3], $0x80, v6, vm0, $0xb8;
	[tilespmem:$0x8680] =	vst v63  }
0xcc: {  	_ = 	snop  }
0xcd: {  	[tilespmem:s20], [sflag:$0x1] =	stream.indirect_vreg.gather [hbm4b:s1+s3], $0x80, v5, vm0, $0xb8;
	[tilespmem:$0x8680] =	vst v63  }
0xce: {  	v5 =	vld [tilespmem:$0xB0];
	_ =	sdelay $0x4  }
0xcf: {  	v6 =	vshll.u32 v5, $0x1  }
0xd0: {  	v5 =	vand.u32 $0x7, v5;
	v6 =	vand.u32 $0xFFFFFFF0, v6  }
0xd1: {  	v5 =	vor.u32 v5, v6  }
0xd2: {  	v6 =	vperm.xlane v5, v2;
	_ =	sdelay $0x1  }
0xd3: {  	v5 =	vperm.xlane v5, v4;
	v6 =	vadd.s32 v3, v6;
	_ =	sdelay $0x1  }
0xd4: {  	v5 =	vadd.s32 v3, v5;
	_ =	sdelay $0x2  }
0xd5: {  	[tilespmem:s21], [sflag:$0x1] =	stream.indirect_vreg.gather [hbm4b:s1+s3], $0x80, v6, vm0, $0xb8;
	[tilespmem:$0x8680] =	vst v63  }
0xd6: {  	_ = 	snop  }
0xd7: {  	[tilespmem:s22], [sflag:$0x1] =	stream.indirect_vreg.gather [hbm4b:s1+s3], $0x80, v5, vm0, $0xb8;
	[tilespmem:$0x8680] =	vst v63  }
0xd8: {  	v5 =	vld [tilespmem:$0xC0];
	_ =	sdelay $0x4  }
0xd9: {  	v6 =	vshll.u32 v5, $0x1  }
0xda: {  	v5 =	vand.u32 $0x7, v5;
	v6 =	vand.u32 $0xFFFFFFF0, v6  }
0xdb: {  	v5 =	vor.u32 v5, v6  }
0xdc: {  	v6 =	vperm.xlane v5, v2;
	_ =	sdelay $0x1  }
0xdd: {  	v5 =	vperm.xlane v5, v4;
	v6 =	vadd.s32 v3, v6;
	_ =	sdelay $0x1  }
0xde: {  	v5 =	vadd.s32 v3, v5;
	_ =	sdelay $0x2  }
0xdf: {  	[tilespmem:s23], [sflag:$0x1] =	stream.indirect_vreg.gather [hbm4b:s1+s3], $0x80, v6, vm0, $0xb8;
	[tilespmem:$0x8680] =	vst v63  }
0xe0: {  	_ = 	snop  }
0xe1: {  	[tilespmem:s24], [sflag:$0x1] =	stream.indirect_vreg.gather [hbm4b:s1+s3], $0x80, v5, vm0, $0xb8;
	[tilespmem:$0x8680] =	vst v63  }
0xe2: {  	v5 =	vld [tilespmem:$0xD0];
	_ =	sdelay $0x4  }
0xe3: {  	v6 =	vshll.u32 v5, $0x1  }
0xe4: {  	v5 =	vand.u32 $0x7, v5;
	v6 =	vand.u32 $0xFFFFFFF0, v6  }
0xe5: {  	v5 =	vor.u32 v5, v6  }
0xe6: {  	v6 =	vperm.xlane v5, v2;
	_ =	sdelay $0x1  }
0xe7: {  	v5 =	vperm.xlane v5, v4;
	v6 =	vadd.s32 v3, v6;
	_ =	sdelay $0x1  }
0xe8: {  	v5 =	vadd.s32 v3, v5;
	_ =	sdelay $0x2  }
0xe9: {  	[tilespmem:s25], [sflag:$0x1] =	stream.indirect_vreg.gather [hbm4b:s1+s3], $0x80, v6, vm0, $0xb8;
	[tilespmem:$0x8680] =	vst v63  }
0xea: {  	_ = 	snop  }
0xeb: {  	[tilespmem:s26], [sflag:$0x1] =	stream.indirect_vreg.gather [hbm4b:s1+s3], $0x80, v5, vm0, $0xb8;
	[tilespmem:$0x8680] =	vst v63  }
0xec: {  	v5 =	vld [tilespmem:$0xE0];
	_ =	sdelay $0x4  }
0xed: {  	v6 =	vshll.u32 v5, $0x1  }
0xee: {  	v5 =	vand.u32 $0x7, v5;
	v6 =	vand.u32 $0xFFFFFFF0, v6  }
0xef: {  	v5 =	vor.u32 v5, v6  }
0xf0: {  	v6 =	vperm.xlane v5, v2;
	_ =	sdelay $0x1  }
0xf1: {  	v5 =	vperm.xlane v5, v4;
	v6 =	vadd.s32 v3, v6;
	_ =	sdelay $0x1  }
0xf2: {  	v5 =	vadd.s32 v3, v5;
	_ =	sdelay $0x2  }
0xf3: {  	[tilespmem:s28], [sflag:$0x1] =	stream.indirect_vreg.gather [hbm4b:s1+s3], $0x80, v6, vm0, $0xb8;
	[tilespmem:$0x8680] =	vst v63  }
0xf4: {  	_ = 	snop  }
0xf5: {  	[tilespmem:s29], [sflag:$0x1] =	stream.indirect_vreg.gather [hbm4b:s1+s3], $0x80, v5, vm0, $0xb8;
	[tilespmem:$0x8680] =	vst v63  }
0xf6: {  	v5 =	vld [tilespmem:$0xF0];
	_ =	sdelay $0x4  }
0xf7: {  	v6 =	vshll.u32 v5, $0x1  }
0xf8: {  	v5 =	vand.u32 $0x7, v5;
	v6 =	vand.u32 $0xFFFFFFF0, v6  }
0xf9: {  	v5 =	vor.u32 v5, v6  }
0xfa: {  	v6 =	vperm.xlane v5, v2;
	_ =	sdelay $0x1  }
0xfb: {  	v5 =	vperm.xlane v5, v4;
	v6 =	vadd.s32 v3, v6;
	_ =	sdelay $0x1  }
0xfc: {  	v5 =	vadd.s32 v3, v5;
	_ =	sdelay $0x2  }
0xfd: {  	[tilespmem:s30], [sflag:$0x1] =	stream.indirect_vreg.gather [hbm4b:s1+s3], $0x80, v6, vm0, $0xb8;
	[tilespmem:$0x8680] =	vst v63  }
0xfe: {  	_ = 	snop  }
0xff: {  	[tilespmem:s31], [sflag:$0x1] =	stream.indirect_vreg.gather [hbm4b:s1+s3], $0x80, v5, vm0, $0xb8;
	[tilespmem:$0x8680] =	vst v63  }
0x100: {  	_ =	swait.ge [sflag:s0], $0x8000  }
0x101: {  	[sflag:s0] =	ssyncset.done $0x0  }
0x102: {  	s4 =	rddreg [dreg:$0x6];
	[sflag:s0] =	ssyncadd.s32 $0xFFFF8000  }
0x103: {  	[hbm4b:s4+s3] =	stream.linear.scatter [tilespmem:s15], [sflag:$0x2], $0x8000, $0x38;
	[tilespmem:$0x8680] =	vst v63  }
0x104: {  	_ =	swait.ge [sflag:s9], $0x8000  }
0x105: {  	[sflag:s9] =	ssyncset.done $0x0  }
0x106: {  	[sflag:s9] =	ssyncadd.s32 $0xFFFF8000  }
0x107: {  	v5 =	vld [tilespmem:$0x100];
	_ =	sdelay $0x4  }
0x108: {  	v6 =	vshll.u32 v5, $0x1  }
0x109: {  	v5 =	vand.u32 $0x7, v5;
	v6 =	vand.u32 $0xFFFFFFF0, v6  }
0x10a: {  	v5 =	vor.u32 v5, v6  }
0x10b: {  	v6 =	vperm.xlane v5, v2;
	_ =	sdelay $0x1  }
0x10c: {  	v5 =	vperm.xlane v5, v4;
	v6 =	vadd.s32 v3, v6;
	_ =	sdelay $0x1  }
0x10d: {  	v5 =	vadd.s32 v3, v5;
	_ =	sdelay $0x2  }
0x10e: {  	[tilespmem:s15], [sflag:$0x1] =	stream.indirect_vreg.gather [hbm4b:s1+s3], $0x80, v6, vm0, $0xb8;
	[tilespmem:$0x8680] =	vst v63  }
0x10f: {  	_ = 	snop  }
0x110: {  	[tilespmem:s16], [sflag:$0x1] =	stream.indirect_vreg.gather [hbm4b:s1+s3], $0x80, v5, vm0, $0xb8;
	[tilespmem:$0x8680] =	vst v63  }
0x111: {  	v5 =	vld [tilespmem:$0x110];
	_ =	sdelay $0x4  }
0x112: {  	v6 =	vshll.u32 v5, $0x1  }
0x113: {  	v5 =	vand.u32 $0x7, v5;
	v6 =	vand.u32 $0xFFFFFFF0, v6  }
0x114: {  	v5 =	vor.u32 v5, v6  }
0x115: {  	v6 =	vperm.xlane v5, v2;
	_ =	sdelay $0x1  }
0x116: {  	v5 =	vperm.xlane v5, v4;
	v6 =	vadd.s32 v3, v6;
	_ =	sdelay $0x1  }
0x117: {  	v5 =	vadd.s32 v3, v5;
	_ =	sdelay $0x2  }
0x118: {  	[tilespmem:s17], [sflag:$0x1] =	stream.indirect_vreg.gather [hbm4b:s1+s3], $0x80, v6, vm0, $0xb8;
	[tilespmem:$0x8680] =	vst v63  }
0x119: {  	_ = 	snop  }
0x11a: {  	[tilespmem:s18], [sflag:$0x1] =	stream.indirect_vreg.gather [hbm4b:s1+s3], $0x80, v5, vm0, $0xb8;
	[tilespmem:$0x8680] =	vst v63  }
0x11b: {  	v5 =	vld [tilespmem:$0x120];
	_ =	sdelay $0x4  }
0x11c: {  	v6 =	vshll.u32 v5, $0x1  }
0x11d: {  	v5 =	vand.u32 $0x7, v5;
	v6 =	vand.u32 $0xFFFFFFF0, v6  }
0x11e: {  	v5 =	vor.u32 v5, v6  }
0x11f: {  	v6 =	vperm.xlane v5, v2;
	_ =	sdelay $0x1  }
0x120: {  	v5 =	vperm.xlane v5, v4;
	v6 =	vadd.s32 v3, v6;
	_ =	sdelay $0x1  }
0x121: {  	v5 =	vadd.s32 v3, v5;
	_ =	sdelay $0x2  }
0x122: {  	[tilespmem:s19], [sflag:$0x1] =	stream.indirect_vreg.gather [hbm4b:s1+s3], $0x80, v6, vm0, $0xb8;
	[tilespmem:$0x8680] =	vst v63  }
0x123: {  	_ = 	snop  }
0x124: {  	[tilespmem:s20], [sflag:$0x1] =	stream.indirect_vreg.gather [hbm4b:s1+s3], $0x80, v5, vm0, $0xb8;
	[tilespmem:$0x8680] =	vst v63  }
0x125: {  	v5 =	vld [tilespmem:$0x130];
	_ =	sdelay $0x4  }
0x126: {  	v6 =	vshll.u32 v5, $0x1  }
0x127: {  	v5 =	vand.u32 $0x7, v5;
	v6 =	vand.u32 $0xFFFFFFF0, v6  }
0x128: {  	v5 =	vor.u32 v5, v6  }
0x129: {  	v6 =	vperm.xlane v5, v2;
	_ =	sdelay $0x1  }
0x12a: {  	v5 =	vperm.xlane v5, v4;
	v6 =	vadd.s32 v3, v6;
	_ =	sdelay $0x1  }
0x12b: {  	v5 =	vadd.s32 v3, v5;
	_ =	sdelay $0x2  }
0x12c: {  	[tilespmem:s21], [sflag:$0x1] =	stream.indirect_vreg.gather [hbm4b:s1+s3], $0x80, v6, vm0, $0xb8;
	[tilespmem:$0x8680] =	vst v63  }
0x12d: {  	_ = 	snop  }
0x12e: {  	[tilespmem:s22], [sflag:$0x1] =	stream.indirect_vreg.gather [hbm4b:s1+s3], $0x80, v5, vm0, $0xb8;
	[tilespmem:$0x8680] =	vst v63  }
0x12f: {  	v5 =	vld [tilespmem:$0x140];
	_ =	sdelay $0x4  }
0x130: {  	v6 =	vshll.u32 v5, $0x1  }
0x131: {  	v5 =	vand.u32 $0x7, v5;
	v6 =	vand.u32 $0xFFFFFFF0, v6  }
0x132: {  	v5 =	vor.u32 v5, v6  }
0x133: {  	v6 =	vperm.xlane v5, v2;
	_ =	sdelay $0x1  }
0x134: {  	v5 =	vperm.xlane v5, v4;
	v6 =	vadd.s32 v3, v6;
	_ =	sdelay $0x1  }
0x135: {  	v5 =	vadd.s32 v3, v5;
	_ =	sdelay $0x2  }
0x136: {  	[tilespmem:s23], [sflag:$0x1] =	stream.indirect_vreg.gather [hbm4b:s1+s3], $0x80, v6, vm0, $0xb8;
	[tilespmem:$0x8680] =	vst v63  }
0x137: {  	_ = 	snop  }
0x138: {  	[tilespmem:s24], [sflag:$0x1] =	stream.indirect_vreg.gather [hbm4b:s1+s3], $0x80, v5, vm0, $0xb8;
	[tilespmem:$0x8680] =	vst v63  }
0x139: {  	v5 =	vld [tilespmem:$0x150];
	_ =	sdelay $0x4  }
0x13a: {  	v6 =	vshll.u32 v5, $0x1  }
0x13b: {  	v5 =	vand.u32 $0x7, v5;
	v6 =	vand.u32 $0xFFFFFFF0, v6  }
0x13c: {  	v5 =	vor.u32 v5, v6  }
0x13d: {  	v6 =	vperm.xlane v5, v2;
	_ =	sdelay $0x1  }
0x13e: {  	v5 =	vperm.xlane v5, v4;
	v6 =	vadd.s32 v3, v6;
	_ =	sdelay $0x1  }
0x13f: {  	v5 =	vadd.s32 v3, v5;
	_ =	sdelay $0x2  }
0x140: {  	[tilespmem:s25], [sflag:$0x1] =	stream.indirect_vreg.gather [hbm4b:s1+s3], $0x80, v6, vm0, $0xb8;
	[tilespmem:$0x8680] =	vst v63  }
0x141: {  	_ = 	snop  }
0x142: {  	[tilespmem:s26], [sflag:$0x1] =	stream.indirect_vreg.gather [hbm4b:s1+s3], $0x80, v5, vm0, $0xb8;
	[tilespmem:$0x8680] =	vst v63  }
0x143: {  	v5 =	vld [tilespmem:$0x160];
	_ =	sdelay $0x4  }
0x144: {  	v6 =	vshll.u32 v5, $0x1  }
0x145: {  	v5 =	vand.u32 $0x7, v5;
	v6 =	vand.u32 $0xFFFFFFF0, v6  }
0x146: {  	v5 =	vor.u32 v5, v6  }
0x147: {  	v6 =	vperm.xlane v5, v2;
	_ =	sdelay $0x1  }
0x148: {  	v5 =	vperm.xlane v5, v4;
	v6 =	vadd.s32 v3, v6;
	_ =	sdelay $0x1  }
0x149: {  	v5 =	vadd.s32 v3, v5;
	_ =	sdelay $0x2  }
0x14a: {  	[tilespmem:s28], [sflag:$0x1] =	stream.indirect_vreg.gather [hbm4b:s1+s3], $0x80, v6, vm0, $0xb8;
	[tilespmem:$0x8680] =	vst v63  }
0x14b: {  	_ = 	snop  }
0x14c: {  	[tilespmem:s29], [sflag:$0x1] =	stream.indirect_vreg.gather [hbm4b:s1+s3], $0x80, v5, vm0, $0xb8;
	[tilespmem:$0x8680] =	vst v63  }
0x14d: {  	v5 =	vld [tilespmem:$0x170];
	_ =	sdelay $0x4  }
0x14e: {  	v6 =	vshll.u32 v5, $0x1  }
0x14f: {  	v5 =	vand.u32 $0x7, v5;
	v6 =	vand.u32 $0xFFFFFFF0, v6  }
0x150: {  	v5 =	vor.u32 v5, v6  }
0x151: {  	v6 =	vperm.xlane v5, v2;
	_ =	sdelay $0x1  }
0x152: {  	v5 =	vperm.xlane v5, v4;
	v6 =	vadd.s32 v3, v6;
	_ =	sdelay $0x1  }
0x153: {  	v5 =	vadd.s32 v3, v5;
	_ =	sdelay $0x2  }
0x154: {  	[tilespmem:s30], [sflag:$0x1] =	stream.indirect_vreg.gather [hbm4b:s1+s3], $0x80, v6, vm0, $0xb8;
	[tilespmem:$0x8680] =	vst v63  }
0x155: {  	_ = 	snop  }
0x156: {  	[tilespmem:s31], [sflag:$0x1] =	stream.indirect_vreg.gather [hbm4b:s1+s3], $0x80, v5, vm0, $0xb8;
	[tilespmem:$0x8680] =	vst v63  }
0x157: {  	_ =	swait.ge [sflag:s0], $0x8000  }
0x158: {  	[sflag:s0] =	ssyncset.done $0x0  }
0x159: {  	s4 =	rddreg [dreg:$0x7];
	[sflag:s0] =	ssyncadd.s32 $0xFFFF8000  }
0x15a: {  	[hbm4b:s4+s3] =	stream.linear.scatter [tilespmem:s15], [sflag:$0x2], $0x8000, $0x38;
	[tilespmem:$0x8680] =	vst v63  }
0x15b: {  	_ =	swait.ge [sflag:s9], $0x8000  }
0x15c: {  	[sflag:s9] =	ssyncset.done $0x0  }
0x15d: {  	[sflag:s9] =	ssyncadd.s32 $0xFFFF8000  }
0x15e: {  	v5 =	vld [tilespmem:$0x180];
	_ =	sdelay $0x4  }
0x15f: {  	v6 =	vshll.u32 v5, $0x1  }
0x160: {  	v5 =	vand.u32 $0x7, v5;
	v6 =	vand.u32 $0xFFFFFFF0, v6  }
0x161: {  	v5 =	vor.u32 v5, v6  }
0x162: {  	v6 =	vperm.xlane v5, v2;
	_ =	sdelay $0x1  }
0x163: {  	v5 =	vperm.xlane v5, v4;
	v6 =	vadd.s32 v3, v6;
	_ =	sdelay $0x1  }
0x164: {  	v5 =	vadd.s32 v3, v5;
	_ =	sdelay $0x2  }
0x165: {  	[tilespmem:s15], [sflag:$0x1] =	stream.indirect_vreg.gather [hbm4b:s1+s3], $0x80, v6, vm0, $0xb8;
	[tilespmem:$0x8680] =	vst v63  }
0x166: {  	_ = 	snop  }
0x167: {  	[tilespmem:s16], [sflag:$0x1] =	stream.indirect_vreg.gather [hbm4b:s1+s3], $0x80, v5, vm0, $0xb8;
	[tilespmem:$0x8680] =	vst v63  }
0x168: {  	v5 =	vld [tilespmem:$0x190];
	_ =	sdelay $0x4  }
0x169: {  	v6 =	vshll.u32 v5, $0x1  }
0x16a: {  	v5 =	vand.u32 $0x7, v5;
	v6 =	vand.u32 $0xFFFFFFF0, v6  }
0x16b: {  	v5 =	vor.u32 v5, v6  }
0x16c: {  	v6 =	vperm.xlane v5, v2;
	_ =	sdelay $0x1  }
0x16d: {  	v5 =	vperm.xlane v5, v4;
	v6 =	vadd.s32 v3, v6;
	_ =	sdelay $0x1  }
0x16e: {  	v5 =	vadd.s32 v3, v5;
	_ =	sdelay $0x2  }
0x16f: {  	[tilespmem:s17], [sflag:$0x1] =	stream.indirect_vreg.gather [hbm4b:s1+s3], $0x80, v6, vm0, $0xb8;
	[tilespmem:$0x8680] =	vst v63  }
0x170: {  	_ = 	snop  }
0x171: {  	[tilespmem:s18], [sflag:$0x1] =	stream.indirect_vreg.gather [hbm4b:s1+s3], $0x80, v5, vm0, $0xb8;
	[tilespmem:$0x8680] =	vst v63  }
0x172: {  	v5 =	vld [tilespmem:$0x1A0];
	_ =	sdelay $0x4  }
0x173: {  	v6 =	vshll.u32 v5, $0x1  }
0x174: {  	v5 =	vand.u32 $0x7, v5;
	v6 =	vand.u32 $0xFFFFFFF0, v6  }
0x175: {  	v5 =	vor.u32 v5, v6  }
0x176: {  	v6 =	vperm.xlane v5, v2;
	_ =	sdelay $0x1  }
0x177: {  	v5 =	vperm.xlane v5, v4;
	v6 =	vadd.s32 v3, v6;
	_ =	sdelay $0x1  }
0x178: {  	v5 =	vadd.s32 v3, v5;
	_ =	sdelay $0x2  }
0x179: {  	[tilespmem:s19], [sflag:$0x1] =	stream.indirect_vreg.gather [hbm4b:s1+s3], $0x80, v6, vm0, $0xb8;
	[tilespmem:$0x8680] =	vst v63  }
0x17a: {  	_ = 	snop  }
0x17b: {  	[tilespmem:s20], [sflag:$0x1] =	stream.indirect_vreg.gather [hbm4b:s1+s3], $0x80, v5, vm0, $0xb8;
	[tilespmem:$0x8680] =	vst v63  }
0x17c: {  	v5 =	vld [tilespmem:$0x1B0];
	_ =	sdelay $0x4  }
0x17d: {  	v6 =	vshll.u32 v5, $0x1  }
0x17e: {  	v5 =	vand.u32 $0x7, v5;
	v6 =	vand.u32 $0xFFFFFFF0, v6  }
0x17f: {  	v5 =	vor.u32 v5, v6  }
0x180: {  	v6 =	vperm.xlane v5, v2;
	_ =	sdelay $0x1  }
0x181: {  	v5 =	vperm.xlane v5, v4;
	v6 =	vadd.s32 v3, v6;
	_ =	sdelay $0x1  }
0x182: {  	v5 =	vadd.s32 v3, v5;
	_ =	sdelay $0x2  }
0x183: {  	[tilespmem:s21], [sflag:$0x1] =	stream.indirect_vreg.gather [hbm4b:s1+s3], $0x80, v6, vm0, $0xb8;
	[tilespmem:$0x8680] =	vst v63  }
0x184: {  	_ = 	snop  }
0x185: {  	[tilespmem:s22], [sflag:$0x1] =	stream.indirect_vreg.gather [hbm4b:s1+s3], $0x80, v5, vm0, $0xb8;
	[tilespmem:$0x8680] =	vst v63  }
0x186: {  	v5 =	vld [tilespmem:$0x1C0];
	_ =	sdelay $0x4  }
0x187: {  	v6 =	vshll.u32 v5, $0x1  }
0x188: {  	v5 =	vand.u32 $0x7, v5;
	v6 =	vand.u32 $0xFFFFFFF0, v6  }
0x189: {  	v5 =	vor.u32 v5, v6  }
0x18a: {  	v6 =	vperm.xlane v5, v2;
	_ =	sdelay $0x1  }
0x18b: {  	v5 =	vperm.xlane v5, v4;
	v6 =	vadd.s32 v3, v6;
	_ =	sdelay $0x1  }
0x18c: {  	v5 =	vadd.s32 v3, v5;
	_ =	sdelay $0x2  }
0x18d: {  	[tilespmem:s23], [sflag:$0x1] =	stream.indirect_vreg.gather [hbm4b:s1+s3], $0x80, v6, vm0, $0xb8;
	[tilespmem:$0x8680] =	vst v63  }
0x18e: {  	_ = 	snop  }
0x18f: {  	[tilespmem:s24], [sflag:$0x1] =	stream.indirect_vreg.gather [hbm4b:s1+s3], $0x80, v5, vm0, $0xb8;
	[tilespmem:$0x8680] =	vst v63  }
0x190: {  	v5 =	vld [tilespmem:$0x1D0];
	_ =	sdelay $0x4  }
0x191: {  	v6 =	vshll.u32 v5, $0x1  }
0x192: {  	v5 =	vand.u32 $0x7, v5;
	v6 =	vand.u32 $0xFFFFFFF0, v6  }
0x193: {  	v5 =	vor.u32 v5, v6  }
0x194: {  	v6 =	vperm.xlane v5, v2;
	_ =	sdelay $0x1  }
0x195: {  	v5 =	vperm.xlane v5, v4;
	v6 =	vadd.s32 v3, v6;
	_ =	sdelay $0x1  }
0x196: {  	v5 =	vadd.s32 v3, v5;
	_ =	sdelay $0x2  }
0x197: {  	[tilespmem:s25], [sflag:$0x1] =	stream.indirect_vreg.gather [hbm4b:s1+s3], $0x80, v6, vm0, $0xb8;
	[tilespmem:$0x8680] =	vst v63  }
0x198: {  	_ = 	snop  }
0x199: {  	[tilespmem:s26], [sflag:$0x1] =	stream.indirect_vreg.gather [hbm4b:s1+s3], $0x80, v5, vm0, $0xb8;
	[tilespmem:$0x8680] =	vst v63  }
0x19a: {  	v5 =	vld [tilespmem:$0x1E0];
	_ =	sdelay $0x4  }
0x19b: {  	v6 =	vshll.u32 v5, $0x1  }
0x19c: {  	v5 =	vand.u32 $0x7, v5;
	v6 =	vand.u32 $0xFFFFFFF0, v6  }
0x19d: {  	v5 =	vor.u32 v5, v6  }
0x19e: {  	v6 =	vperm.xlane v5, v2;
	_ =	sdelay $0x1  }
0x19f: {  	v5 =	vperm.xlane v5, v4;
	v6 =	vadd.s32 v3, v6;
	_ =	sdelay $0x1  }
0x1a0: {  	v5 =	vadd.s32 v3, v5;
	_ =	sdelay $0x2  }
0x1a1: {  	[tilespmem:s28], [sflag:$0x1] =	stream.indirect_vreg.gather [hbm4b:s1+s3], $0x80, v6, vm0, $0xb8;
	[tilespmem:$0x8680] =	vst v63  }
0x1a2: {  	_ = 	snop  }
0x1a3: {  	[tilespmem:s29], [sflag:$0x1] =	stream.indirect_vreg.gather [hbm4b:s1+s3], $0x80, v5, vm0, $0xb8;
	[tilespmem:$0x8680] =	vst v63  }
0x1a4: {  	v5 =	vld [tilespmem:$0x1F0];
	_ =	sdelay $0x4  }
0x1a5: {  	v6 =	vshll.u32 v5, $0x1  }
0x1a6: {  	v5 =	vand.u32 $0x7, v5;
	v6 =	vand.u32 $0xFFFFFFF0, v6  }
0x1a7: {  	v5 =	vor.u32 v5, v6  }
0x1a8: {  	v6 =	vperm.xlane v5, v2;
	_ =	sdelay $0x1  }
0x1a9: {  	v5 =	vperm.xlane v5, v4;
	v6 =	vadd.s32 v3, v6;
	_ =	sdelay $0x1  }
0x1aa: {  	v5 =	vadd.s32 v3, v5;
	_ =	sdelay $0x2  }
0x1ab: {  	[tilespmem:s30], [sflag:$0x1] =	stream.indirect_vreg.gather [hbm4b:s1+s3], $0x80, v6, vm0, $0xb8;
	[tilespmem:$0x8680] =	vst v63  }
0x1ac: {  	_ = 	snop  }
0x1ad: {  	[tilespmem:s31], [sflag:$0x1] =	stream.indirect_vreg.gather [hbm4b:s1+s3], $0x80, v5, vm0, $0xb8;
	[tilespmem:$0x8680] =	vst v63  }
0x1ae: {  	_ =	swait.ge [sflag:s0], $0x8000  }
0x1af: {  	[sflag:s0] =	ssyncset.done $0x0  }
0x1b0: {  	s4 =	rddreg [dreg:$0x8];
	[sflag:s0] =	ssyncadd.s32 $0xFFFF8000  }
0x1b1: {  	[hbm4b:s4+s3] =	stream.linear.scatter [tilespmem:s15], [sflag:$0x2], $0x8000, $0x38;
	[tilespmem:$0x8680] =	vst v63  }
0x1b2: {  	_ =	swait.ge [sflag:s9], $0x8000  }
0x1b3: {  	[sflag:s9] =	ssyncset.done $0x0  }
0x1b4: {  	[sflag:s9] =	ssyncadd.s32 $0xFFFF8000  }
0x1b5: {  	[bflag:$0x0] =	sbarrier.arrive $0xFFFF  }
0x1b6: {  	[tilespmem:s10], [sflag:$0x2] =	stream.linear.gather [spmem:s6], $0x200, $0x38;
	[tilespmem:$0x8680] =	vst v63  }
0x1b7: {  	_ =	swait.ge [sflag:s9], $0x200  }
0x1b8: {  	p0 =	sne.s32 s8, $0x1;
	[sflag:s9] =	ssyncset.done $0x0  }
.Ltmp0:
0x1b9: {  	[sflag:s9] =	ssyncadd.s32 $0xFFFFFE00;
	(pc) =	sbr.rel @p0 .LBB2_1-.Ltmp0, $4  }
0x1ba: {  	[hbm4b:s7+s11] =	stream.strided.scatter [tilespmem:s10], [sflag:$0x2], $0x200, s13, s11, $0x38;
	[tilespmem:$0x8680] =	vst v63  }
0x1bb: {  	_ =	swait.ge [sflag:s9], $0x200  }
0x1bc: {  	[sflag:s9] =	ssyncset.done $0x0  }
0x1bd: {  	s8 =	sadd.s32 $0xFFFFFFFF, s8;
	[sflag:s9] =	ssyncadd.s32 $0xFFFFFE00  }
0x1be: {  	_ =	sfence.sel $0x180000  }
0x1bf: {  	[bflag:$0x0] =	sbarrier.arrive $0xFFFF  }
0x1c0: {  	_ =	strace $0x90000047  }
0x1c1: {  	s0 =	stileid.u32;
	[bflag:$0x2] =	sbarrier.arrive $0xFFFF  }
0x1c2: {  	p0 =	sne.s32 s0, $0x0;
	s0 =	rddreg [dreg:$0x4]  }
0x1c3: {  	s0 =	sadd.s32 @!p0 $0x100000, s0  }
0x1c4: {  	[sflag:s0] =	ssyncadd.tile.s32 @!p0 $0x1;
	_ =	shalt  }
.Lfunc_end2:
_tile_overlayer_lowered:
.L_overlay_start_2:
0x1c5: {  	(tag) =	ssettag $0x2  }
0x1c6: {  	s0 =	rddreg [dreg:$0x0];
	s2 =	stileid.u32  }
0x1c7: {  	s1 =	rddreg [dreg:$0x1];
	p0 =	sne.s32 s2, $0x0  }
0x1c8: {  	s3 =	rddreg [dreg:$0x2];
	[bflag:$0x3] =	sbarrier.arrive $0xFFFF;
	s2 =	simm.s32 @!p0 $0x1C02  }
0x1c9: {  	[timem:s3], [sflag:s2] =	dma.local @!p0 [hbm:s0], s1  }
0x1ca: {  	s0 =	simm.s32 @!p0 $0x2  }
0x1cb: {  	_ =	swait.ge @!p0 [sflag:s0], s1  }
0x1cc: {  	s1 =	ssub.s32 @!p0 $0x0, s1;
	[sflag:s0] =	ssyncset.done @!p0 $0x0  }
0x1cd: {  	[sflag:s0] =	ssyncadd.s32 @!p0 s1  }
0x1ce: {  	[bflag:$0x3] =	sbarrier.arrive $0xFFFF  }
0x1cf: {  	_ =	shalt  }

</sc_bundles>
